<compile_context>
chip_gen: v7x
topology: tpu7x:2x2x1
jax: 0.10.2.dev20260603
libtpu: 0.0.44.dev20260713+nightly
codegen_flags: <defaults>
</compile_context>

<pallas_src>
import functools

import jax
import jax.numpy as jnp
from jax import lax
from jax.experimental import pallas as pl
from jax.experimental.pallas import tpu as pltpu
from jax.experimental.pallas import tpu_sc as plsc

_N = 50000
_M = 16
_E = 800000
_G = 256
_AF = 64
_NF = 41
_ED = 128
_NCONV = 3
_EPS = 1e-5

_TA = 200
_GRID = _N // _TA
_TN = 1000



_SC_CHUNK = 128
_SC_NBLK = _E // _SC_CHUNK
_SC_NW = 32
_SC_ITERS = (_SC_NBLK + _SC_NW - 1) // _SC_NW


def _sc_gather(table, idx):
    mesh = plsc.VectorSubcoreMesh(core_axis_name="c", subcore_axis_name="s")

    @functools.partial(
        pl.kernel,
        out_type=jax.ShapeDtypeStruct((_E, _AF), jnp.float32),
        mesh=mesh,
        scratch_types=[
            pltpu.VMEM((_SC_CHUNK,), jnp.int32),
            pltpu.VMEM((_SC_CHUNK, _AF), jnp.float32),
            pltpu.SemaphoreType.DMA,
        ],
        compiler_params=pltpu.CompilerParams(use_tc_tiling_on_sc=False),
    )
    def k(table_hbm, idx_hbm, out_hbm, idx_v, rows_v, sem):
        cid = lax.axis_index("c")
        sid = lax.axis_index("s")
        wid = sid * 2 + cid

        def body(j, _):
            b = wid + j * _SC_NW

            @pl.when(b < _SC_NBLK)
            def _():
                base = b * _SC_CHUNK
                pltpu.sync_copy(idx_hbm.at[pl.ds(base, _SC_CHUNK)], idx_v)
                pltpu.async_copy(table_hbm.at[idx_v], rows_v, sem).wait()
                pltpu.sync_copy(rows_v, out_hbm.at[pl.ds(base, _SC_CHUNK), :])

            return 0

        lax.fori_loop(0, _SC_ITERS, body, 0)

    return k(table, idx)




def _lin1_body(x_ref, w_ref, b_ref, o_ref):
    o_ref[...] = (
        jnp.dot(x_ref[...], w_ref[...], preferred_element_type=jnp.float32,
                precision=jax.lax.Precision.HIGHEST)
        + b_ref[...]
    )


def _lin1(x, wt, b):
    return pl.pallas_call(
        _lin1_body,
        grid=(_N // _TN,),
        in_specs=[
            pl.BlockSpec((_TN, x.shape[1]), lambda i: (i, 0)),
            pl.BlockSpec(wt.shape, lambda i: (0, 0)),
            pl.BlockSpec((1, _AF), lambda i: (0, 0)),
        ],
        out_specs=pl.BlockSpec((_TN, _AF), lambda i: (i, 0)),
        out_shape=jax.ShapeDtypeStruct((_N, _AF), jnp.float32),
    )(x, wt, b)


def _gated_body(atom_ref, ga_ref, edge_ref, w_ref, b_ref,
                gated_ref, s1_ref, sq1_ref):
    i = pl.program_id(0)
    te = _TA * _M
    self3 = jnp.broadcast_to(
        atom_ref[...][:, None, :], (_TA, _M, _AF)
    ).reshape(te, _AF)
    total = jnp.concatenate([self3, ga_ref[...], edge_ref[...]], axis=1)
    q = (
        jnp.dot(total, w_ref[...], preferred_element_type=jnp.float32,
                precision=jax.lax.Precision.HIGHEST)
        + b_ref[...]
    )
    q3 = q.reshape(_TA, _M, 2 * _AF)
    gated_ref[...] = q3

    @pl.when(i == 0)
    def _():
        s1_ref[...] = jnp.zeros_like(s1_ref)
        sq1_ref[...] = jnp.zeros_like(sq1_ref)

    s1_ref[...] += jnp.sum(q3, axis=(0, 1))[None, :]
    sq1_ref[...] += jnp.sum(q3 * q3, axis=(0, 1))[None, :]


def _gated(atom, ga, edge, w, b):
    te = _TA * _M
    return pl.pallas_call(
        _gated_body,
        grid=(_GRID,),
        in_specs=[
            pl.BlockSpec((_TA, _AF), lambda i: (i, 0)),
            pl.BlockSpec((te, _AF), lambda i: (i, 0)),
            pl.BlockSpec((te, _NF), lambda i: (i, 0)),
            pl.BlockSpec((2 * _AF + _NF, 2 * _AF), lambda i: (0, 0)),
            pl.BlockSpec((1, 2 * _AF), lambda i: (0, 0)),
        ],
        out_specs=[
            pl.BlockSpec((_TA, _M, 2 * _AF), lambda i: (i, 0, 0)),
            pl.BlockSpec((1, 2 * _AF), lambda i: (0, 0)),
            pl.BlockSpec((1, 2 * _AF), lambda i: (0, 0)),
        ],
        out_shape=[
            jax.ShapeDtypeStruct((_N, _M, 2 * _AF), jnp.float32),
            jax.ShapeDtypeStruct((1, 2 * _AF), jnp.float32),
            jax.ShapeDtypeStruct((1, 2 * _AF), jnp.float32),
        ],
    )(atom, ga, edge, w, b)


def _gate_reduce_body(gated_ref, a1_ref, c1_ref, ns_ref, s2_ref, sq2_ref):
    i = pl.program_id(0)
    q = gated_ref[...] * a1_ref[...][None] + c1_ref[...][None]
    f = jax.nn.sigmoid(q[:, :, :_AF])
    c = jax.nn.softplus(q[:, :, _AF:])
    ns = jnp.sum(f * c, axis=1)
    ns_ref[...] = ns

    @pl.when(i == 0)
    def _():
        s2_ref[...] = jnp.zeros_like(s2_ref)
        sq2_ref[...] = jnp.zeros_like(sq2_ref)

    s2_ref[...] += jnp.sum(ns, axis=0)[None, :]
    sq2_ref[...] += jnp.sum(ns * ns, axis=0)[None, :]


def _gate_reduce(gated, a1, c1):
    return pl.pallas_call(
        _gate_reduce_body,
        grid=(_GRID,),
        in_specs=[
            pl.BlockSpec((_TA, _M, 2 * _AF), lambda i: (i, 0, 0)),
            pl.BlockSpec((1, 2 * _AF), lambda i: (0, 0)),
            pl.BlockSpec((1, 2 * _AF), lambda i: (0, 0)),
        ],
        out_specs=[
            pl.BlockSpec((_TA, _AF), lambda i: (i, 0)),
            pl.BlockSpec((1, _AF), lambda i: (0, 0)),
            pl.BlockSpec((1, _AF), lambda i: (0, 0)),
        ],
        out_shape=[
            jax.ShapeDtypeStruct((_N, _AF), jnp.float32),
            jax.ShapeDtypeStruct((1, _AF), jnp.float32),
            jax.ShapeDtypeStruct((1, _AF), jnp.float32),
        ],
    )(gated, a1, c1)


def _update_body(atom_ref, ns_ref, a2_ref, c2_ref, o_ref):
    o_ref[...] = jax.nn.softplus(
        atom_ref[...] + ns_ref[...] * a2_ref[...] + c2_ref[...]
    )


def _update(atom, ns, a2, c2):
    return pl.pallas_call(
        _update_body,
        grid=(_N // _TN,),
        in_specs=[
            pl.BlockSpec((_TN, _AF), lambda i: (i, 0)),
            pl.BlockSpec((_TN, _AF), lambda i: (i, 0)),
            pl.BlockSpec((1, _AF), lambda i: (0, 0)),
            pl.BlockSpec((1, _AF), lambda i: (0, 0)),
        ],
        out_specs=pl.BlockSpec((_TN, _AF), lambda i: (i, 0)),
        out_shape=jax.ShapeDtypeStruct((_N, _AF), jnp.float32),
    )(atom, ns, a2, c2)


def _update_pool_body(atom_ref, ns_ref, a2_ref, c2_ref, bf_ref,
                      sums_ref, cnt_ref):
    i = pl.program_id(0)
    af = jax.nn.softplus(
        atom_ref[...] + ns_ref[...] * a2_ref[...] + c2_ref[...]
    )
    seg = jax.lax.broadcasted_iota(jnp.int32, (1, _G), 1).astype(jnp.float32)
    oh = (bf_ref[...] == seg).astype(jnp.float32)

    @pl.when(i == 0)
    def _():
        sums_ref[...] = jnp.zeros_like(sums_ref)
        cnt_ref[...] = jnp.zeros_like(cnt_ref)

    sums_ref[...] += jax.lax.dot_general(
        oh, af, (((0,), (0,)), ((), ())), preferred_element_type=jnp.float32,
        precision=jax.lax.Precision.HIGHEST,
    )
    cnt_ref[...] += jnp.sum(oh, axis=0)[None, :]


def _update_pool(atom, ns, a2, c2, batch_f):
    return pl.pallas_call(
        _update_pool_body,
        grid=(_N // _TN,),
        in_specs=[
            pl.BlockSpec((_TN, _AF), lambda i: (i, 0)),
            pl.BlockSpec((_TN, _AF), lambda i: (i, 0)),
            pl.BlockSpec((1, _AF), lambda i: (0, 0)),
            pl.BlockSpec((1, _AF), lambda i: (0, 0)),
            pl.BlockSpec((_TN, 1), lambda i: (i, 0)),
        ],
        out_specs=[
            pl.BlockSpec((_G, _AF), lambda i: (0, 0)),
            pl.BlockSpec((1, _G), lambda i: (0, 0)),
        ],
        out_shape=[
            jax.ShapeDtypeStruct((_G, _AF), jnp.float32),
            jax.ShapeDtypeStruct((1, _G), jnp.float32),
        ],
    )(atom, ns, a2, c2, batch_f)


def _bn_rows(h, g, b):
    mu = jnp.mean(h, axis=0, keepdims=True)
    var = jnp.mean((h - mu) * (h - mu), axis=0, keepdims=True)
    return (h - mu) * jax.lax.rsqrt(var + _EPS) * g + b


def _head_body(sums_ref, invc_ref, l2t_ref, l2b_ref, big_ref, bib_ref,
               c1t_ref, c1b_ref, g1_ref, b1_ref,
               c2t_ref, c2b_ref, g2_ref, b2_ref,
               rt_ref, rb_ref, o_ref):
    pooled = sums_ref[...] * invc_ref[...]
    h = jnp.dot(pooled, l2t_ref[...], preferred_element_type=jnp.float32,
                precision=jax.lax.Precision.HIGHEST) + l2b_ref[...]
    h = jnp.maximum(_bn_rows(h, big_ref[...], bib_ref[...]), 0.0)
    h = jnp.dot(h, c1t_ref[...], preferred_element_type=jnp.float32,
                precision=jax.lax.Precision.HIGHEST) + c1b_ref[...]
    h = jnp.maximum(_bn_rows(h, g1_ref[...], b1_ref[...]), 0.0)
    h = jnp.dot(h, c2t_ref[...], preferred_element_type=jnp.float32,
                precision=jax.lax.Precision.HIGHEST) + c2b_ref[...]
    h = jnp.maximum(_bn_rows(h, g2_ref[...], b2_ref[...]), 0.0)
    o_ref[...] = jnp.dot(h, rt_ref[...], preferred_element_type=jnp.float32,
                precision=jax.lax.Precision.HIGHEST) + rb_ref[...]


def _head(sums, invc, l2t, l2b, big, bib, c1t, c1b, g1, b1,
          c2t, c2b, g2, b2, rt, rb):
    return pl.pallas_call(
        _head_body,
        out_shape=jax.ShapeDtypeStruct((_G, 1), jnp.float32),
    )(sums, invc, l2t, l2b, big, bib, c1t, c1b, g1, b1,
      c2t, c2b, g2, b2, rt, rb)




def _row(v):
    return v.reshape(1, -1).astype(jnp.float32)


def kernel(x, edge_attr, edge_index, batch,
           lin1_w, lin1_b,
           conv_fc_w, conv_fc_b, conv_bn1_g, conv_bn1_b, conv_bn2_g, conv_bn2_b,
           lin2_w, lin2_b, bn_in_g, bn_in_b,
           cl1_w, cl1_b, cbn1_g, cbn1_b,
           cl2_w, cl2_b, cbn2_g, cbn2_b,
           reg_w, reg_b):
    idx = edge_index[1].astype(jnp.int32)
    batch_f = batch.astype(jnp.float32).reshape(_N, 1)

    atom = _lin1(x, lin1_w.T, _row(lin1_b))

    for i in range(_NCONV):
        ga = _sc_gather(atom, idx)
        gated, s1, sq1 = _gated(atom, ga, edge_attr, conv_fc_w[i].T,
                                _row(conv_fc_b[i]))

        mu1 = s1 / float(_E)
        var1 = sq1 / float(_E) - mu1 * mu1
        a1 = _row(conv_bn1_g[i]) * jax.lax.rsqrt(var1 + _EPS)
        c1 = _row(conv_bn1_b[i]) - mu1 * a1

        ns, s2, sq2 = _gate_reduce(gated, a1, c1)

        mu2 = s2 / float(_N)
        var2 = sq2 / float(_N) - mu2 * mu2
        a2 = _row(conv_bn2_g[i]) * jax.lax.rsqrt(var2 + _EPS)
        c2 = _row(conv_bn2_b[i]) - mu2 * a2

        if i < _NCONV - 1:
            atom = _update(atom, ns, a2, c2)
        else:
            sums, cnt = _update_pool(atom, ns, a2, c2, batch_f)

    invc = (1.0 / jnp.maximum(cnt, 1.0)).reshape(_G, 1)
    return _head(sums, invc,
                 lin2_w.T, _row(lin2_b), _row(bn_in_g), _row(bn_in_b),
                 cl1_w.T, _row(cl1_b), _row(cbn1_g), _row(cbn1_b),
                 cl2_w.T, _row(cl2_b), _row(cbn2_g), _row(cbn2_b),
                 reg_w.T, _row(reg_b))

# --- scband reference (transcript-rebuilt; emitter-appended) ---
"""Pipeline reference for scband-cgcnn-609885356796 (READ-ONLY COPY).

The authoritative reference and input builder live on the scoring server;
editing this copy changes nothing except your own understanding.
"""

import jax, jax.numpy as jnp
import numpy as np

N = 50000
M = 16
E = 800000
G = 256
AF = 64
NF = 41
OF = 92
ED = 128
NCONV = 3


def setup_inputs(seed: int = 0) -> dict:
    key = jax.random.key(seed)
    ks = jax.random.split(key, 16)
    s = 0.05
    inp = {}
    inp['x'] = jax.random.normal(ks[0], (N, OF), dtype=jnp.float32)
    inp['edge_attr'] = jax.random.uniform(ks[1], (E, NF), dtype=jnp.float32)
    inp['edge_index'] = jax.random.randint(ks[2], (2, E), 0, N)
    inp['batch'] = jnp.sort(jax.random.randint(ks[3], (N,), 0, G))
    inp['lin1_w'] = jax.random.normal(ks[4], (AF, OF), dtype=jnp.float32) * s
    inp['lin1_b'] = jnp.zeros((AF,), jnp.float32)
    inp['conv_fc_w'] = jax.random.normal(ks[5], (NCONV, 2 * AF, 2 * AF + NF), dtype=jnp.float32) * s
    inp['conv_fc_b'] = jnp.zeros((NCONV, 2 * AF), jnp.float32)
    inp['conv_bn1_g'] = jnp.ones((NCONV, 2 * AF), jnp.float32)
    inp['conv_bn1_b'] = jnp.zeros((NCONV, 2 * AF), jnp.float32)
    inp['conv_bn2_g'] = jnp.ones((NCONV, AF), jnp.float32)
    inp['conv_bn2_b'] = jnp.zeros((NCONV, AF), jnp.float32)
    inp['lin2_w'] = jax.random.normal(ks[6], (ED, AF), dtype=jnp.float32) * s
    inp['lin2_b'] = jnp.zeros((ED,), jnp.float32)
    inp['bn_in_g'] = jnp.ones((ED,), jnp.float32)
    inp['bn_in_b'] = jnp.zeros((ED,), jnp.float32)
    inp['cl1_w'] = jax.random.normal(ks[7], (ED, ED), dtype=jnp.float32) * s
    inp['cl1_b'] = jnp.zeros((ED,), jnp.float32)
    inp['cbn1_g'] = jnp.ones((ED,), jnp.float32)
    inp['cbn1_b'] = jnp.zeros((ED,), jnp.float32)
    inp['cl2_w'] = jax.random.normal(ks[8], (ED, ED), dtype=jnp.float32) * s
    inp['cl2_b'] = jnp.zeros((ED,), jnp.float32)
    inp['cbn2_g'] = jnp.ones((ED,), jnp.float32)
    inp['cbn2_b'] = jnp.zeros((ED,), jnp.float32)
    inp['reg_w'] = jax.random.normal(ks[9], (1, ED), dtype=jnp.float32) * s
    inp['reg_b'] = jnp.zeros((1,), jnp.float32)
    return inp


def _bn(x, g, b, eps=1e-5):
    # BatchNorm1d in training mode: batch statistics (biased variance)
    mu = jnp.mean(x, axis=0)
    var = jnp.var(x, axis=0)
    return (x - mu) / jnp.sqrt(var + eps) * g + b


def _conv_layer(atom, nbr_fea, nbr_idx, fc_w, fc_b, g1, b1, g2, b2):
    Nn, Mm = nbr_idx.shape
    af = atom.shape[1]
    atom_nbr = atom[nbr_idx, :]  # gather: (N, M, AF)
    total = jnp.concatenate([
        jnp.broadcast_to(atom[:, None, :], (Nn, Mm, af)),
        atom_nbr,
        nbr_fea,
    ], axis=2)
    gated = total @ fc_w.T + fc_b  # (N, M, 2*AF)
    gated = _bn(gated.reshape(-1, 2 * af), g1, b1).reshape(Nn, Mm, 2 * af)
    nbr_filter, nbr_core = jnp.split(gated, 2, axis=2)
    nbr_filter = jax.nn.sigmoid(nbr_filter)
    nbr_core = jax.nn.softplus(nbr_core)
    nbr_sumed = jnp.sum(nbr_filter * nbr_core, axis=1)
    nbr_sumed = _bn(nbr_sumed, g2, b2)
    return jax.nn.softplus(atom + nbr_sumed)


def reference(x, edge_attr, edge_index, batch,
              lin1_w, lin1_b,
              conv_fc_w, conv_fc_b, conv_bn1_g, conv_bn1_b, conv_bn2_g, conv_bn2_b,
              lin2_w, lin2_b, bn_in_g, bn_in_b,
              cl1_w, cl1_b, cbn1_g, cbn1_b,
              cl2_w, cl2_b, cbn2_g, cbn2_b,
              reg_w, reg_b):
    Nn = x.shape[0]
    Ee = edge_attr.shape[0]
    Mm = Ee // Nn
    nbr_fea = edge_attr.reshape(Nn, Mm, -1)
    nbr_idx = edge_index[1].reshape(Nn, Mm)
    atom = x @ lin1_w.T + lin1_b
    for i in range(NCONV):
        atom = _conv_layer(atom, nbr_fea, nbr_idx,
                           conv_fc_w[i], conv_fc_b[i],
                           conv_bn1_g[i], conv_bn1_b[i],
                           conv_bn2_g[i], conv_bn2_b[i])
    # global_mean_pool via segment_sum
    sums = jax.ops.segment_sum(atom, batch, num_segments=G)
    cnts = jax.ops.segment_sum(jnp.ones((Nn,), jnp.float32), batch, num_segments=G)
    pooled = sums / jnp.maximum(cnts, 1.0)[:, None]
    xc = pooled @ lin2_w.T + lin2_b
    xc = jax.nn.relu(_bn(xc, bn_in_g, bn_in_b))
    xc = xc @ cl1_w.T + cl1_b
    xc = jax.nn.relu(_bn(xc, cbn1_g, cbn1_b))
    xc = xc @ cl2_w.T + cl2_b
    xc = jax.nn.relu(_bn(xc, cbn2_g, cbn2_b))
    return xc @ reg_w.T + reg_b

if __name__ == "__main__":
    import jax
    _d = setup_inputs()
    print(jax.jit(kernel)(*tuple(_d.values())))

</pallas_src>

<mosaic_0001>
#map = affine_map<(d0, d1) -> (0, 0)>
#map1 = affine_map<(d0, d1) -> (0)>
module attributes {stable_mosaic.version = 14 : i64} {
  func.func @k(%arg0: i32, %arg1: i32, %arg2: memref<50000x64xf32, #tpu.memory_space<hbm>>, %arg3: memref<800000xi32, #tpu.memory_space<hbm>>, %arg4: memref<800000x64xf32, #tpu.memory_space<hbm>>, %arg5: memref<128xi32, #tpu.memory_space<vmem>>, %arg6: memref<128x64xf32, #tpu.memory_space<vmem>>, %arg7: memref<!tpu.dma_semaphore, #tpu.memory_space<semaphore_mem>>) attributes {dimension_semantics = [#tpu.dimension_semantics<core_parallel>, #tpu.dimension_semantics<subcore_parallel>], iteration_bounds = array<i64: 2, 16>, scalar_prefetch = 0 : i64, scratch_operands = 3 : i64, tpu.core_type = #tpu.core_type<sc_vector_subcore>, window_params = [{transform_indices = #map}, {transform_indices = #map1}, {transform_indices = #map}]} {
    %mul3A = arith.constant 2 : i32
    %mul3A_0 = arith.muli %arg1, %mul3A : i32
    %add3A = arith.addi %mul3A_0, %arg0 : i32
    %scan3A = arith.constant 0 : i32
    %scan3A_1 = arith.constant 0 : i32
    %scan3A_2 = arith.constant 196 : i32
    %scan3A_3 = arith.addi %scan3A_1, %scan3A_2 : i32
    %scan3A_4 = arith.constant 1 : i32
    %scan3A_5 = scf.for %scan3A_7 = %scan3A_1 to %scan3A_3 step %scan3A_4 iter_args(%scan3A_8 = %scan3A) -> (i32)  : i32 {
      %mul3A_9 = arith.constant 32 : i32
      %mul3A_10 = arith.muli %scan3A_7, %mul3A_9 : i32
      %add3A_11 = arith.addi %add3A, %mul3A_10 : i32
      %lt3A = arith.constant 6250 : i32
      %lt3A_12 = arith.cmpi slt, %add3A_11, %lt3A : i32
      %convert_element_type3A = arith.extui %lt3A_12 : i1 to i32
      %cond3A = arith.constant 0 : i32
      %cond3A_13 = arith.cmpi ne, %convert_element_type3A, %cond3A : i32
      scf.if %cond3A_13 {
        %mul3A_15 = arith.constant 128 : i32
        %mul3A_16 = arith.muli %add3A_11, %mul3A_15 : i32
        "tpu.region"() ({
          %run_scoped3A = tpu.sem_alloc : memref<!tpu.dma_semaphore, #tpu.memory_space<semaphore_mem>>
          %dma_start3A_21 = tpu.memref_slice %arg3[%mul3A_16] : memref<800000xi32, #tpu.memory_space<hbm>> -> memref<128xi32, #tpu.memory_space<hbm>>
          %dma_start3A_22 = tpu.memref_slice %arg3[%mul3A_16] : memref<800000xi32, #tpu.memory_space<hbm>> -> memref<128xi32, #tpu.memory_space<hbm>>
          tpu.enqueue_dma source(%dma_start3A_22 : memref<128xi32, #tpu.memory_space<hbm>>) target(%arg5 : memref<128xi32, #tpu.memory_space<vmem>>) target_semaphore(%run_scoped3A : memref<!tpu.dma_semaphore, #tpu.memory_space<semaphore_mem>>)
          %dma_wait3A_23 = tpu.memref_slice %arg3[%mul3A_16] : memref<800000xi32, #tpu.memory_space<hbm>> -> memref<128xi32, #tpu.memory_space<hbm>>
          %dma_wait3A_24 = tpu.memref_slice %arg3[%mul3A_16] : memref<800000xi32, #tpu.memory_space<hbm>> -> memref<128xi32, #tpu.memory_space<hbm>>
          tpu.wait_dma2 semaphore(%run_scoped3A : memref<!tpu.dma_semaphore, #tpu.memory_space<semaphore_mem>>) src(%dma_wait3A_24 : memref<128xi32, #tpu.memory_space<hbm>>) dst(%arg5 : memref<128xi32, #tpu.memory_space<vmem>>)
          tpu.yield
        }) : () -> ()
        %dma_start3A = arith.constant 0 : i32
        %dma_start3A_17 = arith.constant 0 : i32
        %dma_start3A_18 = tpu.memref_slice %arg2[%dma_start3A, %dma_start3A_17] : memref<50000x64xf32, #tpu.memory_space<hbm>> -> memref<50000x64xf32, #tpu.memory_space<hbm>>
        tpu.enqueue_indirect_dma source(%dma_start3A_18 : memref<50000x64xf32, #tpu.memory_space<hbm>>) target(%arg6 : memref<128x64xf32, #tpu.memory_space<vmem>>) offsets(%arg5 : memref<128xi32, #tpu.memory_space<vmem>>) semaphore(%arg7 : memref<!tpu.dma_semaphore, #tpu.memory_space<semaphore_mem>>)
        %dma_wait3A = arith.constant 0 : i32
        %dma_wait3A_19 = arith.constant 0 : i32
        %dma_wait3A_20 = tpu.memref_slice %arg2[%dma_wait3A, %dma_wait3A_19] : memref<50000x64xf32, #tpu.memory_space<hbm>> -> memref<50000x64xf32, #tpu.memory_space<hbm>>
        tpu.wait_indirect_dma semaphore(%arg7 : memref<!tpu.dma_semaphore, #tpu.memory_space<semaphore_mem>>) src(%dma_wait3A_20 : memref<50000x64xf32, #tpu.memory_space<hbm>>) dst(%arg6 : memref<128x64xf32, #tpu.memory_space<vmem>>)
        "tpu.region"() ({
          %run_scoped3A = tpu.sem_alloc : memref<!tpu.dma_semaphore, #tpu.memory_space<semaphore_mem>>
          %dma_start3A_21 = arith.constant 0 : i32
          %dma_start3A_22 = tpu.memref_slice %arg4[%mul3A_16, %dma_start3A_21] : memref<800000x64xf32, #tpu.memory_space<hbm>> -> memref<128x64xf32, #tpu.memory_space<hbm>>
          %dma_start3A_23 = arith.constant 0 : i32
          %dma_start3A_24 = tpu.memref_slice %arg4[%mul3A_16, %dma_start3A_23] : memref<800000x64xf32, #tpu.memory_space<hbm>> -> memref<128x64xf32, #tpu.memory_space<hbm>>
          tpu.enqueue_dma source(%arg6 : memref<128x64xf32, #tpu.memory_space<vmem>>) target(%dma_start3A_24 : memref<128x64xf32, #tpu.memory_space<hbm>>) target_semaphore(%run_scoped3A : memref<!tpu.dma_semaphore, #tpu.memory_space<semaphore_mem>>)
          %dma_wait3A_25 = arith.constant 0 : i32
          %dma_wait3A_26 = tpu.memref_slice %arg4[%mul3A_16, %dma_wait3A_25] : memref<800000x64xf32, #tpu.memory_space<hbm>> -> memref<128x64xf32, #tpu.memory_space<hbm>>
          %dma_wait3A_27 = arith.constant 0 : i32
          %dma_wait3A_28 = tpu.memref_slice %arg4[%mul3A_16, %dma_wait3A_27] : memref<800000x64xf32, #tpu.memory_space<hbm>> -> memref<128x64xf32, #tpu.memory_space<hbm>>
          tpu.wait_dma2 semaphore(%run_scoped3A : memref<!tpu.dma_semaphore, #tpu.memory_space<semaphore_mem>>) src(%arg6 : memref<128x64xf32, #tpu.memory_space<vmem>>) dst(%dma_wait3A_28 : memref<128x64xf32, #tpu.memory_space<hbm>>)
          tpu.yield
        }) : () -> ()
      } else {
      }
      %scan3A_14 = arith.constant 0 : i32
      scf.yield %scan3A_14 : i32
    }
    %scan3A_6 = arith.constant 196 : i32
    return
  }
}

#map = affine_map<(d0, d1) -> (0, 0)>
#map1 = affine_map<(d0, d1) -> (0)>
module attributes {stable_mosaic.version = 14 : i64} {
  func.func @k(%arg0: i32, %arg1: i32, %arg2: memref<50000x64xf32, #tpu.memory_space<hbm>>, %arg3: memref<800000xi32, #tpu.memory_space<hbm>>, %arg4: memref<800000x64xf32, #tpu.memory_space<hbm>>, %arg5: memref<128xi32, #tpu.memory_space<vmem>>, %arg6: memref<128x64xf32, #tpu.memory_space<vmem>>, %arg7: memref<!tpu.dma_semaphore, #tpu.memory_space<semaphore_mem>>) attributes {dimension_semantics = [#tpu.dimension_semantics<core_parallel>, #tpu.dimension_semantics<subcore_parallel>], iteration_bounds = array<i64: 2, 16>, scalar_prefetch = 0 : i64, scratch_operands = 3 : i64, tpu.core_type = #tpu.core_type<sc_vector_subcore>, window_params = [{transform_indices = #map}, {transform_indices = #map1}, {transform_indices = #map}]} {
    %mul3A = arith.constant 2 : i32
    %mul3A_0 = arith.muli %arg1, %mul3A : i32
    %add3A = arith.addi %mul3A_0, %arg0 : i32
    %scan3A = arith.constant 0 : i32
    %scan3A_1 = arith.constant 0 : i32
    %scan3A_2 = arith.constant 196 : i32
    %scan3A_3 = arith.addi %scan3A_1, %scan3A_2 : i32
    %scan3A_4 = arith.constant 1 : i32
    %scan3A_5 = scf.for %scan3A_7 = %scan3A_1 to %scan3A_3 step %scan3A_4 iter_args(%scan3A_8 = %scan3A) -> (i32)  : i32 {
      %mul3A_9 = arith.constant 32 : i32
      %mul3A_10 = arith.muli %scan3A_7, %mul3A_9 : i32
      %add3A_11 = arith.addi %add3A, %mul3A_10 : i32
      %lt3A = arith.constant 6250 : i32
      %lt3A_12 = arith.cmpi slt, %add3A_11, %lt3A : i32
      %convert_element_type3A = arith.extui %lt3A_12 : i1 to i32
      %cond3A = arith.constant 0 : i32
      %cond3A_13 = arith.cmpi ne, %convert_element_type3A, %cond3A : i32
      scf.if %cond3A_13 {
        %mul3A_15 = arith.constant 128 : i32
        %mul3A_16 = arith.muli %add3A_11, %mul3A_15 : i32
        "tpu.region"() ({
          %run_scoped3A = tpu.sem_alloc : memref<!tpu.dma_semaphore, #tpu.memory_space<semaphore_mem>>
          %dma_start3A_21 = tpu.memref_slice %arg3[%mul3A_16] : memref<800000xi32, #tpu.memory_space<hbm>> -> memref<128xi32, #tpu.memory_space<hbm>>
          %dma_start3A_22 = tpu.memref_slice %arg3[%mul3A_16] : memref<800000xi32, #tpu.memory_space<hbm>> -> memref<128xi32, #tpu.memory_space<hbm>>
          tpu.enqueue_dma source(%dma_start3A_22 : memref<128xi32, #tpu.memory_space<hbm>>) target(%arg5 : memref<128xi32, #tpu.memory_space<vmem>>) target_semaphore(%run_scoped3A : memref<!tpu.dma_semaphore, #tpu.memory_space<semaphore_mem>>)
          %dma_wait3A_23 = tpu.memref_slice %arg3[%mul3A_16] : memref<800000xi32, #tpu.memory_space<hbm>> -> memref<128xi32, #tpu.memory_space<hbm>>
          %dma_wait3A_24 = tpu.memref_slice %arg3[%mul3A_16] : memref<800000xi32, #tpu.memory_space<hbm>> -> memref<128xi32, #tpu.memory_space<hbm>>
          tpu.wait_dma2 semaphore(%run_scoped3A : memref<!tpu.dma_semaphore, #tpu.memory_space<semaphore_mem>>) src(%dma_wait3A_24 : memref<128xi32, #tpu.memory_space<hbm>>) dst(%arg5 : memref<128xi32, #tpu.memory_space<vmem>>)
          tpu.yield
        }) : () -> ()
        %dma_start3A = arith.constant 0 : i32
        %dma_start3A_17 = arith.constant 0 : i32
        %dma_start3A_18 = tpu.memref_slice %arg2[%dma_start3A, %dma_start3A_17] : memref<50000x64xf32, #tpu.memory_space<hbm>> -> memref<50000x64xf32, #tpu.memory_space<hbm>>
        tpu.enqueue_indirect_dma source(%dma_start3A_18 : memref<50000x64xf32, #tpu.memory_space<hbm>>) target(%arg6 : memref<128x64xf32, #tpu.memory_space<vmem>>) offsets(%arg5 : memref<128xi32, #tpu.memory_space<vmem>>) semaphore(%arg7 : memref<!tpu.dma_semaphore, #tpu.memory_space<semaphore_mem>>)
        %dma_wait3A = arith.constant 0 : i32
        %dma_wait3A_19 = arith.constant 0 : i32
        %dma_wait3A_20 = tpu.memref_slice %arg2[%dma_wait3A, %dma_wait3A_19] : memref<50000x64xf32, #tpu.memory_space<hbm>> -> memref<50000x64xf32, #tpu.memory_space<hbm>>
        tpu.wait_indirect_dma semaphore(%arg7 : memref<!tpu.dma_semaphore, #tpu.memory_space<semaphore_mem>>) src(%dma_wait3A_20 : memref<50000x64xf32, #tpu.memory_space<hbm>>) dst(%arg6 : memref<128x64xf32, #tpu.memory_space<vmem>>)
        "tpu.region"() ({
          %run_scoped3A = tpu.sem_alloc : memref<!tpu.dma_semaphore, #tpu.memory_space<semaphore_mem>>
          %dma_start3A_21 = arith.constant 0 : i32
          %dma_start3A_22 = tpu.memref_slice %arg4[%mul3A_16, %dma_start3A_21] : memref<800000x64xf32, #tpu.memory_space<hbm>> -> memref<128x64xf32, #tpu.memory_space<hbm>>
          %dma_start3A_23 = arith.constant 0 : i32
          %dma_start3A_24 = tpu.memref_slice %arg4[%mul3A_16, %dma_start3A_23] : memref<800000x64xf32, #tpu.memory_space<hbm>> -> memref<128x64xf32, #tpu.memory_space<hbm>>
          tpu.enqueue_dma source(%arg6 : memref<128x64xf32, #tpu.memory_space<vmem>>) target(%dma_start3A_24 : memref<128x64xf32, #tpu.memory_space<hbm>>) target_semaphore(%run_scoped3A : memref<!tpu.dma_semaphore, #tpu.memory_space<semaphore_mem>>)
          %dma_wait3A_25 = arith.constant 0 : i32
          %dma_wait3A_26 = tpu.memref_slice %arg4[%mul3A_16, %dma_wait3A_25] : memref<800000x64xf32, #tpu.memory_space<hbm>> -> memref<128x64xf32, #tpu.memory_space<hbm>>
          %dma_wait3A_27 = arith.constant 0 : i32
          %dma_wait3A_28 = tpu.memref_slice %arg4[%mul3A_16, %dma_wait3A_27] : memref<800000x64xf32, #tpu.memory_space<hbm>> -> memref<128x64xf32, #tpu.memory_space<hbm>>
          tpu.wait_dma2 semaphore(%run_scoped3A : memref<!tpu.dma_semaphore, #tpu.memory_space<semaphore_mem>>) src(%arg6 : memref<128x64xf32, #tpu.memory_space<vmem>>) dst(%dma_wait3A_28 : memref<128x64xf32, #tpu.memory_space<hbm>>)
          tpu.yield
        }) : () -> ()
      } else {
      }
      %scan3A_14 = arith.constant 0 : i32
      scf.yield %scan3A_14 : i32
    }
    %scan3A_6 = arith.constant 196 : i32
    return
  }
}

#map = affine_map<(d0, d1) -> (0, 0)>
#map1 = affine_map<(d0, d1) -> (0)>
module attributes {stable_mosaic.version = 14 : i64} {
  func.func @k(%arg0: i32, %arg1: i32, %arg2: memref<50000x64xf32, #tpu.memory_space<hbm>>, %arg3: memref<800000xi32, #tpu.memory_space<hbm>>, %arg4: memref<800000x64xf32, #tpu.memory_space<hbm>>, %arg5: memref<128xi32, #tpu.memory_space<vmem>>, %arg6: memref<128x64xf32, #tpu.memory_space<vmem>>, %arg7: memref<!tpu.dma_semaphore, #tpu.memory_space<semaphore_mem>>) attributes {dimension_semantics = [#tpu.dimension_semantics<core_parallel>, #tpu.dimension_semantics<subcore_parallel>], iteration_bounds = array<i64: 2, 16>, scalar_prefetch = 0 : i64, scratch_operands = 3 : i64, tpu.core_type = #tpu.core_type<sc_vector_subcore>, window_params = [{transform_indices = #map}, {transform_indices = #map1}, {transform_indices = #map}]} {
    %mul3A = arith.constant 2 : i32
    %mul3A_0 = arith.muli %arg1, %mul3A : i32
    %add3A = arith.addi %mul3A_0, %arg0 : i32
    %scan3A = arith.constant 0 : i32
    %scan3A_1 = arith.constant 0 : i32
    %scan3A_2 = arith.constant 196 : i32
    %scan3A_3 = arith.addi %scan3A_1, %scan3A_2 : i32
    %scan3A_4 = arith.constant 1 : i32
    %scan3A_5 = scf.for %scan3A_7 = %scan3A_1 to %scan3A_3 step %scan3A_4 iter_args(%scan3A_8 = %scan3A) -> (i32)  : i32 {
      %mul3A_9 = arith.constant 32 : i32
      %mul3A_10 = arith.muli %scan3A_7, %mul3A_9 : i32
      %add3A_11 = arith.addi %add3A, %mul3A_10 : i32
      %lt3A = arith.constant 6250 : i32
      %lt3A_12 = arith.cmpi slt, %add3A_11, %lt3A : i32
      %convert_element_type3A = arith.extui %lt3A_12 : i1 to i32
      %cond3A = arith.constant 0 : i32
      %cond3A_13 = arith.cmpi ne, %convert_element_type3A, %cond3A : i32
      scf.if %cond3A_13 {
        %mul3A_15 = arith.constant 128 : i32
        %mul3A_16 = arith.muli %add3A_11, %mul3A_15 : i32
        "tpu.region"() ({
          %run_scoped3A = tpu.sem_alloc : memref<!tpu.dma_semaphore, #tpu.memory_space<semaphore_mem>>
          %dma_start3A_21 = tpu.memref_slice %arg3[%mul3A_16] : memref<800000xi32, #tpu.memory_space<hbm>> -> memref<128xi32, #tpu.memory_space<hbm>>
          %dma_start3A_22 = tpu.memref_slice %arg3[%mul3A_16] : memref<800000xi32, #tpu.memory_space<hbm>> -> memref<128xi32, #tpu.memory_space<hbm>>
          tpu.enqueue_dma source(%dma_start3A_22 : memref<128xi32, #tpu.memory_space<hbm>>) target(%arg5 : memref<128xi32, #tpu.memory_space<vmem>>) target_semaphore(%run_scoped3A : memref<!tpu.dma_semaphore, #tpu.memory_space<semaphore_mem>>)
          %dma_wait3A_23 = tpu.memref_slice %arg3[%mul3A_16] : memref<800000xi32, #tpu.memory_space<hbm>> -> memref<128xi32, #tpu.memory_space<hbm>>
          %dma_wait3A_24 = tpu.memref_slice %arg3[%mul3A_16] : memref<800000xi32, #tpu.memory_space<hbm>> -> memref<128xi32, #tpu.memory_space<hbm>>
          tpu.wait_dma2 semaphore(%run_scoped3A : memref<!tpu.dma_semaphore, #tpu.memory_space<semaphore_mem>>) src(%dma_wait3A_24 : memref<128xi32, #tpu.memory_space<hbm>>) dst(%arg5 : memref<128xi32, #tpu.memory_space<vmem>>)
          tpu.yield
        }) : () -> ()
        %dma_start3A = arith.constant 0 : i32
        %dma_start3A_17 = arith.constant 0 : i32
        %dma_start3A_18 = tpu.memref_slice %arg2[%dma_start3A, %dma_start3A_17] : memref<50000x64xf32, #tpu.memory_space<hbm>> -> memref<50000x64xf32, #tpu.memory_space<hbm>>
        tpu.enqueue_indirect_dma source(%dma_start3A_18 : memref<50000x64xf32, #tpu.memory_space<hbm>>) target(%arg6 : memref<128x64xf32, #tpu.memory_space<vmem>>) offsets(%arg5 : memref<128xi32, #tpu.memory_space<vmem>>) semaphore(%arg7 : memref<!tpu.dma_semaphore, #tpu.memory_space<semaphore_mem>>)
        %dma_wait3A = arith.constant 0 : i32
        %dma_wait3A_19 = arith.constant 0 : i32
        %dma_wait3A_20 = tpu.memref_slice %arg2[%dma_wait3A, %dma_wait3A_19] : memref<50000x64xf32, #tpu.memory_space<hbm>> -> memref<50000x64xf32, #tpu.memory_space<hbm>>
        tpu.wait_indirect_dma semaphore(%arg7 : memref<!tpu.dma_semaphore, #tpu.memory_space<semaphore_mem>>) src(%dma_wait3A_20 : memref<50000x64xf32, #tpu.memory_space<hbm>>) dst(%arg6 : memref<128x64xf32, #tpu.memory_space<vmem>>)
        "tpu.region"() ({
          %run_scoped3A = tpu.sem_alloc : memref<!tpu.dma_semaphore, #tpu.memory_space<semaphore_mem>>
          %dma_start3A_21 = arith.constant 0 : i32
          %dma_start3A_22 = tpu.memref_slice %arg4[%mul3A_16, %dma_start3A_21] : memref<800000x64xf32, #tpu.memory_space<hbm>> -> memref<128x64xf32, #tpu.memory_space<hbm>>
          %dma_start3A_23 = arith.constant 0 : i32
          %dma_start3A_24 = tpu.memref_slice %arg4[%mul3A_16, %dma_start3A_23] : memref<800000x64xf32, #tpu.memory_space<hbm>> -> memref<128x64xf32, #tpu.memory_space<hbm>>
          tpu.enqueue_dma source(%arg6 : memref<128x64xf32, #tpu.memory_space<vmem>>) target(%dma_start3A_24 : memref<128x64xf32, #tpu.memory_space<hbm>>) target_semaphore(%run_scoped3A : memref<!tpu.dma_semaphore, #tpu.memory_space<semaphore_mem>>)
          %dma_wait3A_25 = arith.constant 0 : i32
          %dma_wait3A_26 = tpu.memref_slice %arg4[%mul3A_16, %dma_wait3A_25] : memref<800000x64xf32, #tpu.memory_space<hbm>> -> memref<128x64xf32, #tpu.memory_space<hbm>>
          %dma_wait3A_27 = arith.constant 0 : i32
          %dma_wait3A_28 = tpu.memref_slice %arg4[%mul3A_16, %dma_wait3A_27] : memref<800000x64xf32, #tpu.memory_space<hbm>> -> memref<128x64xf32, #tpu.memory_space<hbm>>
          tpu.wait_dma2 semaphore(%run_scoped3A : memref<!tpu.dma_semaphore, #tpu.memory_space<semaphore_mem>>) src(%arg6 : memref<128x64xf32, #tpu.memory_space<vmem>>) dst(%dma_wait3A_28 : memref<128x64xf32, #tpu.memory_space<hbm>>)
          tpu.yield
        }) : () -> ()
      } else {
      }
      %scan3A_14 = arith.constant 0 : i32
      scf.yield %scan3A_14 : i32
    }
    %scan3A_6 = arith.constant 196 : i32
    return
  }
}

module attributes {stable_mosaic.version = 14 : i64} {
  func.func @_lin1_body(%arg0: i32, %arg1: memref<1000x92xf32, #tpu.memory_space<vmem>>, %arg2: memref<92x64xf32, #tpu.memory_space<vmem>>, %arg3: memref<1x64xf32, #tpu.memory_space<vmem>>, %arg4: memref<1000x64xf32, #tpu.memory_space<vmem>>) attributes {dimension_semantics = [#tpu.dimension_semantics<arbitrary>], iteration_bounds = array<i64: 50>, scalar_prefetch = 0 : i64, scratch_operands = 0 : i64, tpu.core_type = #tpu.core_type<tc>, window_params = [{transform_indices = @transform_0, window_bounds = array<i64: 1000, 92>}, {pipeline_mode = #tpu.pipeline_mode<synchronous>, transform_indices = @transform_1, window_bounds = array<i64: 92, 64>}, {pipeline_mode = #tpu.pipeline_mode<synchronous>, transform_indices = @transform_2, window_bounds = array<i64: 1, 64>}, {transform_indices = @transform_3, window_bounds = array<i64: 1000, 64>}]} {
    %get3A = arith.constant 0 : index
    %get3A_0 = arith.constant 0 : index
    %get3A_1 = vector.load %arg1[%get3A, %get3A_0] : memref<1000x92xf32, #tpu.memory_space<vmem>>, vector<1000x92xf32>
    %get3A_2 = arith.constant 0 : index
    %get3A_3 = arith.constant 0 : index
    %get3A_4 = vector.load %arg2[%get3A_2, %get3A_3] : memref<92x64xf32, #tpu.memory_space<vmem>>, vector<92x64xf32>
    %dot_general3A = arith.constant dense<0.000000e+00> : vector<1000x64xf32>
    %dot_general3A_5 = tpu.matmul %get3A_1, %get3A_4, %dot_general3A {dimension_numbers = #tpu.dot_dimension_numbers<[1], [0], [0], [1], [0, 0, 1, 1], [], []>, precision = #tpu.contract_precision<fp32>, transpose_lhs_hint = false} : vector<1000x92xf32>, vector<92x64xf32>, vector<1000x64xf32> -> vector<1000x64xf32>
    %get3A_6 = arith.constant 0 : index
    %get3A_7 = arith.constant 0 : index
    %get3A_8 = vector.load %arg3[%get3A_6, %get3A_7] : memref<1x64xf32, #tpu.memory_space<vmem>>, vector<1x64xf32>
    %add3A = vector.broadcast %get3A_8 : vector<1x64xf32> to vector<1000x64xf32>
    %add3A_9 = arith.addf %dot_general3A_5, %add3A : vector<1000x64xf32>
    %swap3A = arith.constant 0 : index
    %swap3A_10 = arith.constant 0 : index
    %swap3A_11 = vector.load %arg4[%swap3A, %swap3A_10] : memref<1000x64xf32, #tpu.memory_space<vmem>>, vector<1000x64xf32>
    tpu.vector_store %arg4[%swap3A, %swap3A_10], %add3A_9 {strides = array<i32>} : memref<1000x64xf32, #tpu.memory_space<vmem>>, vector<1000x64xf32>,
    return
  }
  func.func @transform_0(%arg0: i32) -> (i32, i32) {
    %c0_i32 = arith.constant 0 : i32
    %c0_i32_0 = arith.constant 0 : i32
    return %arg0, %c0_i32 : i32, i32
  }
  func.func @transform_1(%arg0: i32) -> (i32, i32) {
    %c0_i32 = arith.constant 0 : i32
    %c0_i32_0 = arith.constant 0 : i32
    %c0_i32_1 = arith.constant 0 : i32
    return %c0_i32, %c0_i32_0 : i32, i32
  }
  func.func @transform_2(%arg0: i32) -> (i32, i32) {
    %c0_i32 = arith.constant 0 : i32
    %c0_i32_0 = arith.constant 0 : i32
    %c0_i32_1 = arith.constant 0 : i32
    return %c0_i32, %c0_i32_0 : i32, i32
  }
  func.func @transform_3(%arg0: i32) -> (i32, i32) {
    %c0_i32 = arith.constant 0 : i32
    %c0_i32_0 = arith.constant 0 : i32
    return %arg0, %c0_i32 : i32, i32
  }
}

module attributes {stable_mosaic.version = 14 : i64} {
  func.func @_gated_body(%arg0: i32, %arg1: memref<200x64xf32, #tpu.memory_space<vmem>>, %arg2: memref<3200x64xf32, #tpu.memory_space<vmem>>, %arg3: memref<3200x41xf32, #tpu.memory_space<vmem>>, %arg4: memref<169x128xf32, #tpu.memory_space<vmem>>, %arg5: memref<1x128xf32, #tpu.memory_space<vmem>>, %arg6: memref<200x16x128xf32, #tpu.memory_space<vmem>>, %arg7: memref<1x128xf32, #tpu.memory_space<vmem>>, %arg8: memref<1x128xf32, #tpu.memory_space<vmem>>) attributes {dimension_semantics = [#tpu.dimension_semantics<arbitrary>], iteration_bounds = array<i64: 250>, scalar_prefetch = 0 : i64, scratch_operands = 0 : i64, tpu.core_type = #tpu.core_type<tc>, window_params = [{transform_indices = @transform_0, window_bounds = array<i64: 200, 64>}, {transform_indices = @transform_1, window_bounds = array<i64: 3200, 64>}, {transform_indices = @transform_2, window_bounds = array<i64: 3200, 41>}, {pipeline_mode = #tpu.pipeline_mode<synchronous>, transform_indices = @transform_3, window_bounds = array<i64: 169, 128>}, {pipeline_mode = #tpu.pipeline_mode<synchronous>, transform_indices = @transform_4, window_bounds = array<i64: 1, 128>}, {transform_indices = @transform_5, window_bounds = array<i64: 200, 16, 128>}, {pipeline_mode = #tpu.pipeline_mode<synchronous>, transform_indices = @transform_6, window_bounds = array<i64: 1, 128>}, {pipeline_mode = #tpu.pipeline_mode<synchronous>, transform_indices = @transform_7, window_bounds = array<i64: 1, 128>}]} {
    %get3A = arith.constant 0 : index
    %get3A_0 = arith.constant 0 : index
    %get3A_1 = vector.load %arg1[%get3A, %get3A_0] : memref<200x64xf32, #tpu.memory_space<vmem>>, vector<200x64xf32>
    %broadcast_in_dim3A = vector.shape_cast %get3A_1 : vector<200x64xf32> to vector<200x1x64xf32>
    %broadcast_in_dim3A_2 = vector.shape_cast %broadcast_in_dim3A : vector<200x1x64xf32> to vector<200x1x64xf32>
    %broadcast_in_dim3A_3 = vector.broadcast %broadcast_in_dim3A_2 : vector<200x1x64xf32> to vector<200x16x64xf32>
    %reshape3A = vector.shape_cast %broadcast_in_dim3A_3 : vector<200x16x64xf32> to vector<3200x64xf32>
    %get3A_4 = arith.constant 0 : index
    %get3A_5 = arith.constant 0 : index
    %get3A_6 = vector.load %arg2[%get3A_4, %get3A_5] : memref<3200x64xf32, #tpu.memory_space<vmem>>, vector<3200x64xf32>
    %get3A_7 = arith.constant 0 : index
    %get3A_8 = arith.constant 0 : index
    %get3A_9 = vector.load %arg3[%get3A_7, %get3A_8] : memref<3200x41xf32, #tpu.memory_space<vmem>>, vector<3200x41xf32>
    %concatenate3A = tpu.concatenate %reshape3A, %get3A_6, %get3A_9 in 1 : vector<3200x64xf32>, vector<3200x64xf32>, vector<3200x41xf32> -> vector<3200x169xf32>
    %get3A_10 = arith.constant 0 : index
    %get3A_11 = arith.constant 0 : index
    %get3A_12 = vector.load %arg4[%get3A_10, %get3A_11] : memref<169x128xf32, #tpu.memory_space<vmem>>, vector<169x128xf32>
    %dot_general3A = arith.constant dense<0.000000e+00> : vector<3200x128xf32>
    %dot_general3A_13 = tpu.matmul %concatenate3A, %get3A_12, %dot_general3A {dimension_numbers = #tpu.dot_dimension_numbers<[1], [0], [0], [1], [0, 0, 1, 1], [], []>, precision = #tpu.contract_precision<fp32>, transpose_lhs_hint = false} : vector<3200x169xf32>, vector<169x128xf32>, vector<3200x128xf32> -> vector<3200x128xf32>
    %get3A_14 = arith.constant 0 : index
    %get3A_15 = arith.constant 0 : index
    %get3A_16 = vector.load %arg5[%get3A_14, %get3A_15] : memref<1x128xf32, #tpu.memory_space<vmem>>, vector<1x128xf32>
    %add3A = vector.broadcast %get3A_16 : vector<1x128xf32> to vector<3200x128xf32>
    %add3A_17 = arith.addf %dot_general3A_13, %add3A : vector<3200x128xf32>
    %reshape3A_18 = vector.shape_cast %add3A_17 : vector<3200x128xf32> to vector<200x16x128xf32>
    %swap3A = arith.constant 0 : index
    %swap3A_19 = arith.constant 0 : index
    %swap3A_20 = arith.constant 0 : index
    %swap3A_21 = vector.load %arg6[%swap3A, %swap3A_19, %swap3A_20] : memref<200x16x128xf32, #tpu.memory_space<vmem>>, vector<200x16x128xf32>
    tpu.vector_store %arg6[%swap3A, %swap3A_19, %swap3A_20], %reshape3A_18 {strides = array<i32>} : memref<200x16x128xf32, #tpu.memory_space<vmem>>, vector<200x16x128xf32>,
    %eq3A = arith.constant 0 : i32
    %eq3A_22 = arith.cmpi eq, %arg0, %eq3A : i32
    %convert_element_type3A = arith.extui %eq3A_22 : i1 to i32
    %cond3A = arith.constant 0 : i32
    %cond3A_23 = arith.cmpi ne, %convert_element_type3A, %cond3A : i32
    scf.if %cond3A_23 {
      %broadcast_in_dim3A_43 = arith.constant 0.000000e+00 : f32
      %broadcast_in_dim3A_44 = vector.broadcast %broadcast_in_dim3A_43 : f32 to vector<1x128xf32>
      %swap3A_45 = arith.constant 0 : index
      %swap3A_46 = arith.constant 0 : index
      %swap3A_47 = vector.load %arg7[%swap3A_45, %swap3A_46] : memref<1x128xf32, #tpu.memory_space<vmem>>, vector<1x128xf32>
      tpu.vector_store %arg7[%swap3A_45, %swap3A_46], %broadcast_in_dim3A_44 {strides = array<i32>} : memref<1x128xf32, #tpu.memory_space<vmem>>, vector<1x128xf32>,
      %broadcast_in_dim3A_48 = arith.constant 0.000000e+00 : f32
      %broadcast_in_dim3A_49 = vector.broadcast %broadcast_in_dim3A_48 : f32 to vector<1x128xf32>
      %swap3A_50 = arith.constant 0 : index
      %swap3A_51 = arith.constant 0 : index
      %swap3A_52 = vector.load %arg8[%swap3A_50, %swap3A_51] : memref<1x128xf32, #tpu.memory_space<vmem>>, vector<1x128xf32>
      tpu.vector_store %arg8[%swap3A_50, %swap3A_51], %broadcast_in_dim3A_49 {strides = array<i32>} : memref<1x128xf32, #tpu.memory_space<vmem>>, vector<1x128xf32>,
    } else {
    }
    %get3A_24 = arith.constant 0 : index
    %get3A_25 = arith.constant 0 : index
    %get3A_26 = vector.load %arg7[%get3A_24, %get3A_25] : memref<1x128xf32, #tpu.memory_space<vmem>>, vector<1x128xf32>
    %reduce_sum3A = arith.constant dense<0.000000e+00> : vector<128xf32>
    %reduce_sum3A_27 = vector.multi_reduction <add>, %reshape3A_18, %reduce_sum3A [0, 1] : vector<200x16x128xf32> to vector<128xf32>
    %broadcast_in_dim3A_28 = vector.shape_cast %reduce_sum3A_27 : vector<128xf32> to vector<1x128xf32>
    %add3A_29 = arith.addf %get3A_26, %broadcast_in_dim3A_28 : vector<1x128xf32>
    %swap3A_30 = arith.constant 0 : index
    %swap3A_31 = arith.constant 0 : index
    %swap3A_32 = vector.load %arg7[%swap3A_30, %swap3A_31] : memref<1x128xf32, #tpu.memory_space<vmem>>, vector<1x128xf32>
    tpu.vector_store %arg7[%swap3A_30, %swap3A_31], %add3A_29 {strides = array<i32>} : memref<1x128xf32, #tpu.memory_space<vmem>>, vector<1x128xf32>,
    %get3A_33 = arith.constant 0 : index
    %get3A_34 = arith.constant 0 : index
    %get3A_35 = vector.load %arg8[%get3A_33, %get3A_34] : memref<1x128xf32, #tpu.memory_space<vmem>>, vector<1x128xf32>
    %mul3A = arith.mulf %reshape3A_18, %reshape3A_18 : vector<200x16x128xf32>
    %reduce_sum3A_36 = arith.constant dense<0.000000e+00> : vector<128xf32>
    %reduce_sum3A_37 = vector.multi_reduction <add>, %mul3A, %reduce_sum3A_36 [0, 1] : vector<200x16x128xf32> to vector<128xf32>
    %broadcast_in_dim3A_38 = vector.shape_cast %reduce_sum3A_37 : vector<128xf32> to vector<1x128xf32>
    %add3A_39 = arith.addf %get3A_35, %broadcast_in_dim3A_38 : vector<1x128xf32>
    %swap3A_40 = arith.constant 0 : index
    %swap3A_41 = arith.constant 0 : index
    %swap3A_42 = vector.load %arg8[%swap3A_40, %swap3A_41] : memref<1x128xf32, #tpu.memory_space<vmem>>, vector<1x128xf32>
    tpu.vector_store %arg8[%swap3A_40, %swap3A_41], %add3A_39 {strides = array<i32>} : memref<1x128xf32, #tpu.memory_space<vmem>>, vector<1x128xf32>,
    return
  }
  func.func @transform_0(%arg0: i32) -> (i32, i32) {
    %c0_i32 = arith.constant 0 : i32
    %c0_i32_0 = arith.constant 0 : i32
    return %arg0, %c0_i32 : i32, i32
  }
  func.func @transform_1(%arg0: i32) -> (i32, i32) {
    %c0_i32 = arith.constant 0 : i32
    %c0_i32_0 = arith.constant 0 : i32
    return %arg0, %c0_i32 : i32, i32
  }
  func.func @transform_2(%arg0: i32) -> (i32, i32) {
    %c0_i32 = arith.constant 0 : i32
    %c0_i32_0 = arith.constant 0 : i32
    return %arg0, %c0_i32 : i32, i32
  }
  func.func @transform_3(%arg0: i32) -> (i32, i32) {
    %c0_i32 = arith.constant 0 : i32
    %c0_i32_0 = arith.constant 0 : i32
    %c0_i32_1 = arith.constant 0 : i32
    return %c0_i32, %c0_i32_0 : i32, i32
  }
  func.func @transform_4(%arg0: i32) -> (i32, i32) {
    %c0_i32 = arith.constant 0 : i32
    %c0_i32_0 = arith.constant 0 : i32
    %c0_i32_1 = arith.constant 0 : i32
    return %c0_i32, %c0_i32_0 : i32, i32
  }
  func.func @transform_5(%arg0: i32) -> (i32, i32, i32) {
    %c0_i32 = arith.constant 0 : i32
    %c0_i32_0 = arith.constant 0 : i32
    %c0_i32_1 = arith.constant 0 : i32
    return %arg0, %c0_i32, %c0_i32_0 : i32, i32, i32
  }
  func.func @transform_6(%arg0: i32) -> (i32, i32) {
    %c0_i32 = arith.constant 0 : i32
    %c0_i32_0 = arith.constant 0 : i32
    %c0_i32_1 = arith.constant 0 : i32
    return %c0_i32, %c0_i32_0 : i32, i32
  }
  func.func @transform_7(%arg0: i32) -> (i32, i32) {
    %c0_i32 = arith.constant 0 : i32
    %c0_i32_0 = arith.constant 0 : i32
    %c0_i32_1 = arith.constant 0 : i32
    return %c0_i32, %c0_i32_0 : i32, i32
  }
}

module attributes {stable_mosaic.version = 14 : i64} {
  func.func @_gate_reduce_body(%arg0: i32, %arg1: memref<200x16x128xf32, #tpu.memory_space<vmem>>, %arg2: memref<1x128xf32, #tpu.memory_space<vmem>>, %arg3: memref<1x128xf32, #tpu.memory_space<vmem>>, %arg4: memref<200x64xf32, #tpu.memory_space<vmem>>, %arg5: memref<1x64xf32, #tpu.memory_space<vmem>>, %arg6: memref<1x64xf32, #tpu.memory_space<vmem>>) attributes {dimension_semantics = [#tpu.dimension_semantics<arbitrary>], iteration_bounds = array<i64: 250>, scalar_prefetch = 0 : i64, scratch_operands = 0 : i64, tpu.core_type = #tpu.core_type<tc>, window_params = [{transform_indices = @transform_0, window_bounds = array<i64: 200, 16, 128>}, {pipeline_mode = #tpu.pipeline_mode<synchronous>, transform_indices = @transform_1, window_bounds = array<i64: 1, 128>}, {pipeline_mode = #tpu.pipeline_mode<synchronous>, transform_indices = @transform_2, window_bounds = array<i64: 1, 128>}, {transform_indices = @transform_3, window_bounds = array<i64: 200, 64>}, {pipeline_mode = #tpu.pipeline_mode<synchronous>, transform_indices = @transform_4, window_bounds = array<i64: 1, 64>}, {pipeline_mode = #tpu.pipeline_mode<synchronous>, transform_indices = @transform_5, window_bounds = array<i64: 1, 64>}]} {
    %get3A = arith.constant 0 : index
    %get3A_0 = arith.constant 0 : index
    %get3A_1 = arith.constant 0 : index
    %get3A_2 = vector.load %arg1[%get3A, %get3A_0, %get3A_1] : memref<200x16x128xf32, #tpu.memory_space<vmem>>, vector<200x16x128xf32>
    %get3A_3 = arith.constant 0 : index
    %get3A_4 = arith.constant 0 : index
    %get3A_5 = vector.load %arg2[%get3A_3, %get3A_4] : memref<1x128xf32, #tpu.memory_space<vmem>>, vector<1x128xf32>
    %broadcast_in_dim3A = vector.shape_cast %get3A_5 : vector<1x128xf32> to vector<1x1x128xf32>
    %mul3A = vector.broadcast %broadcast_in_dim3A : vector<1x1x128xf32> to vector<200x16x128xf32>
    %mul3A_6 = arith.mulf %get3A_2, %mul3A : vector<200x16x128xf32>
    %get3A_7 = arith.constant 0 : index
    %get3A_8 = arith.constant 0 : index
    %get3A_9 = vector.load %arg3[%get3A_7, %get3A_8] : memref<1x128xf32, #tpu.memory_space<vmem>>, vector<1x128xf32>
    %broadcast_in_dim3A_10 = vector.shape_cast %get3A_9 : vector<1x128xf32> to vector<1x1x128xf32>
    %add3A = vector.broadcast %broadcast_in_dim3A_10 : vector<1x1x128xf32> to vector<200x16x128xf32>
    %add3A_11 = arith.addf %mul3A_6, %add3A : vector<200x16x128xf32>
    %slice3A = vector.extract_strided_slice %add3A_11 {offsets = [0, 0, 0], sizes = [200, 16, 64], strides = [1, 1, 1]} : vector<200x16x128xf32> to vector<200x16x64xf32>
    %logistic3A = arith.negf %slice3A : vector<200x16x64xf32>
    %logistic3A_12 = math.exp %logistic3A : vector<200x16x64xf32>
    %logistic3A_13 = arith.constant 1.000000e+00 : f32
    %logistic3A_14 = vector.broadcast %logistic3A_13 : f32 to vector<200x16x64xf32>
    %logistic3A_15 = arith.addf %logistic3A_14, %logistic3A_12 : vector<200x16x64xf32>
    %logistic3A_16 = arith.divf %logistic3A_14, %logistic3A_15 : vector<200x16x64xf32>
    %slice3A_17 = vector.extract_strided_slice %add3A_11 {offsets = [0, 0, 64], sizes = [200, 16, 64], strides = [1, 1, 1]} : vector<200x16x128xf32> to vector<200x16x64xf32>
    %custom_jvp_call3A = arith.constant 0.000000e+00 : f32
    %max3A = vector.broadcast %custom_jvp_call3A : f32 to vector<200x16x64xf32>
    %max3A_18 = arith.maximumf %slice3A_17, %max3A : vector<200x16x64xf32>
    %sub3A = vector.broadcast %custom_jvp_call3A : f32 to vector<200x16x64xf32>
    %sub3A_19 = arith.subf %slice3A_17, %sub3A : vector<200x16x64xf32>
    %ne3A = arith.cmpf one, %sub3A_19, %sub3A_19 : vector<200x16x64xf32>
    %add3A_20 = vector.broadcast %custom_jvp_call3A : f32 to vector<200x16x64xf32>
    %add3A_21 = arith.addf %slice3A_17, %add3A_20 : vector<200x16x64xf32>
    %abs3A = math.absf %sub3A_19 : vector<200x16x64xf32>
    %neg3A = arith.constant 0.000000e+00 : f32
    %neg3A_22 = vector.broadcast %neg3A : f32 to vector<200x16x64xf32>
    %neg3A_23 = arith.subf %neg3A_22, %abs3A : vector<200x16x64xf32>
    %exp3A = math.exp %neg3A_23 : vector<200x16x64xf32>
    %log1p3A = math.log1p %exp3A : vector<200x16x64xf32>
    %add3A_24 = arith.addf %max3A_18, %log1p3A : vector<200x16x64xf32>
    %select_n3A = arith.select %ne3A, %add3A_21, %add3A_24 : vector<200x16x64xi1>, vector<200x16x64xf32>
    %mul3A_25 = arith.mulf %logistic3A_16, %select_n3A : vector<200x16x64xf32>
    %reduce_sum3A = arith.constant dense<0.000000e+00> : vector<200x64xf32>
    %reduce_sum3A_26 = vector.multi_reduction <add>, %mul3A_25, %reduce_sum3A [1] : vector<200x16x64xf32> to vector<200x64xf32>
    %swap3A = arith.constant 0 : index
    %swap3A_27 = arith.constant 0 : index
    %swap3A_28 = vector.load %arg4[%swap3A, %swap3A_27] : memref<200x64xf32, #tpu.memory_space<vmem>>, vector<200x64xf32>
    tpu.vector_store %arg4[%swap3A, %swap3A_27], %reduce_sum3A_26 {strides = array<i32>} : memref<200x64xf32, #tpu.memory_space<vmem>>, vector<200x64xf32>,
    %eq3A = arith.constant 0 : i32
    %eq3A_29 = arith.cmpi eq, %arg0, %eq3A : i32
    %convert_element_type3A = arith.extui %eq3A_29 : i1 to i32
    %cond3A = arith.constant 0 : i32
    %cond3A_30 = arith.cmpi ne, %convert_element_type3A, %cond3A : i32
    scf.if %cond3A_30 {
      %broadcast_in_dim3A_52 = arith.constant 0.000000e+00 : f32
      %broadcast_in_dim3A_53 = vector.broadcast %broadcast_in_dim3A_52 : f32 to vector<1x64xf32>
      %swap3A_54 = arith.constant 0 : index
      %swap3A_55 = arith.constant 0 : index
      %swap3A_56 = vector.load %arg5[%swap3A_54, %swap3A_55] : memref<1x64xf32, #tpu.memory_space<vmem>>, vector<1x64xf32>
      tpu.vector_store %arg5[%swap3A_54, %swap3A_55], %broadcast_in_dim3A_53 {strides = array<i32>} : memref<1x64xf32, #tpu.memory_space<vmem>>, vector<1x64xf32>,
      %broadcast_in_dim3A_57 = arith.constant 0.000000e+00 : f32
      %broadcast_in_dim3A_58 = vector.broadcast %broadcast_in_dim3A_57 : f32 to vector<1x64xf32>
      %swap3A_59 = arith.constant 0 : index
      %swap3A_60 = arith.constant 0 : index
      %swap3A_61 = vector.load %arg6[%swap3A_59, %swap3A_60] : memref<1x64xf32, #tpu.memory_space<vmem>>, vector<1x64xf32>
      tpu.vector_store %arg6[%swap3A_59, %swap3A_60], %broadcast_in_dim3A_58 {strides = array<i32>} : memref<1x64xf32, #tpu.memory_space<vmem>>, vector<1x64xf32>,
    } else {
    }
    %get3A_31 = arith.constant 0 : index
    %get3A_32 = arith.constant 0 : index
    %get3A_33 = vector.load %arg5[%get3A_31, %get3A_32] : memref<1x64xf32, #tpu.memory_space<vmem>>, vector<1x64xf32>
    %reduce_sum3A_34 = arith.constant dense<0.000000e+00> : vector<64xf32>
    %reduce_sum3A_35 = vector.multi_reduction <add>, %reduce_sum3A_26, %reduce_sum3A_34 [0] : vector<200x64xf32> to vector<64xf32>
    %broadcast_in_dim3A_36 = vector.shape_cast %reduce_sum3A_35 : vector<64xf32> to vector<1x64xf32>
    %add3A_37 = arith.addf %get3A_33, %broadcast_in_dim3A_36 : vector<1x64xf32>
    %swap3A_38 = arith.constant 0 : index
    %swap3A_39 = arith.constant 0 : index
    %swap3A_40 = vector.load %arg5[%swap3A_38, %swap3A_39] : memref<1x64xf32, #tpu.memory_space<vmem>>, vector<1x64xf32>
    tpu.vector_store %arg5[%swap3A_38, %swap3A_39], %add3A_37 {strides = array<i32>} : memref<1x64xf32, #tpu.memory_space<vmem>>, vector<1x64xf32>,
    %get3A_41 = arith.constant 0 : index
    %get3A_42 = arith.constant 0 : index
    %get3A_43 = vector.load %arg6[%get3A_41, %get3A_42] : memref<1x64xf32, #tpu.memory_space<vmem>>, vector<1x64xf32>
    %mul3A_44 = arith.mulf %reduce_sum3A_26, %reduce_sum3A_26 : vector<200x64xf32>
    %reduce_sum3A_45 = arith.constant dense<0.000000e+00> : vector<64xf32>
    %reduce_sum3A_46 = vector.multi_reduction <add>, %mul3A_44, %reduce_sum3A_45 [0] : vector<200x64xf32> to vector<64xf32>
    %broadcast_in_dim3A_47 = vector.shape_cast %reduce_sum3A_46 : vector<64xf32> to vector<1x64xf32>
    %add3A_48 = arith.addf %get3A_43, %broadcast_in_dim3A_47 : vector<1x64xf32>
    %swap3A_49 = arith.constant 0 : index
    %swap3A_50 = arith.constant 0 : index
    %swap3A_51 = vector.load %arg6[%swap3A_49, %swap3A_50] : memref<1x64xf32, #tpu.memory_space<vmem>>, vector<1x64xf32>
    tpu.vector_store %arg6[%swap3A_49, %swap3A_50], %add3A_48 {strides = array<i32>} : memref<1x64xf32, #tpu.memory_space<vmem>>, vector<1x64xf32>,
    return
  }
  func.func @transform_0(%arg0: i32) -> (i32, i32, i32) {
    %c0_i32 = arith.constant 0 : i32
    %c0_i32_0 = arith.constant 0 : i32
    %c0_i32_1 = arith.constant 0 : i32
    return %arg0, %c0_i32, %c0_i32_0 : i32, i32, i32
  }
  func.func @transform_1(%arg0: i32) -> (i32, i32) {
    %c0_i32 = arith.constant 0 : i32
    %c0_i32_0 = arith.constant 0 : i32
    %c0_i32_1 = arith.constant 0 : i32
    return %c0_i32, %c0_i32_0 : i32, i32
  }
  func.func @transform_2(%arg0: i32) -> (i32, i32) {
    %c0_i32 = arith.constant 0 : i32
    %c0_i32_0 = arith.constant 0 : i32
    %c0_i32_1 = arith.constant 0 : i32
    return %c0_i32, %c0_i32_0 : i32, i32
  }
  func.func @transform_3(%arg0: i32) -> (i32, i32) {
    %c0_i32 = arith.constant 0 : i32
    %c0_i32_0 = arith.constant 0 : i32
    return %arg0, %c0_i32 : i32, i32
  }
  func.func @transform_4(%arg0: i32) -> (i32, i32) {
    %c0_i32 = arith.constant 0 : i32
    %c0_i32_0 = arith.constant 0 : i32
    %c0_i32_1 = arith.constant 0 : i32
    return %c0_i32, %c0_i32_0 : i32, i32
  }
  func.func @transform_5(%arg0: i32) -> (i32, i32) {
    %c0_i32 = arith.constant 0 : i32
    %c0_i32_0 = arith.constant 0 : i32
    %c0_i32_1 = arith.constant 0 : i32
    return %c0_i32, %c0_i32_0 : i32, i32
  }
}

module attributes {stable_mosaic.version = 14 : i64} {
  func.func @_update_body(%arg0: i32, %arg1: memref<1000x64xf32, #tpu.memory_space<vmem>>, %arg2: memref<1000x64xf32, #tpu.memory_space<vmem>>, %arg3: memref<1x64xf32, #tpu.memory_space<vmem>>, %arg4: memref<1x64xf32, #tpu.memory_space<vmem>>, %arg5: memref<1000x64xf32, #tpu.memory_space<vmem>>) attributes {dimension_semantics = [#tpu.dimension_semantics<arbitrary>], iteration_bounds = array<i64: 50>, scalar_prefetch = 0 : i64, scratch_operands = 0 : i64, tpu.core_type = #tpu.core_type<tc>, window_params = [{transform_indices = @transform_0, window_bounds = array<i64: 1000, 64>}, {transform_indices = @transform_1, window_bounds = array<i64: 1000, 64>}, {pipeline_mode = #tpu.pipeline_mode<synchronous>, transform_indices = @transform_2, window_bounds = array<i64: 1, 64>}, {pipeline_mode = #tpu.pipeline_mode<synchronous>, transform_indices = @transform_3, window_bounds = array<i64: 1, 64>}, {transform_indices = @transform_4, window_bounds = array<i64: 1000, 64>}]} {
    %get3A = arith.constant 0 : index
    %get3A_0 = arith.constant 0 : index
    %get3A_1 = vector.load %arg1[%get3A, %get3A_0] : memref<1000x64xf32, #tpu.memory_space<vmem>>, vector<1000x64xf32>
    %get3A_2 = arith.constant 0 : index
    %get3A_3 = arith.constant 0 : index
    %get3A_4 = vector.load %arg2[%get3A_2, %get3A_3] : memref<1000x64xf32, #tpu.memory_space<vmem>>, vector<1000x64xf32>
    %get3A_5 = arith.constant 0 : index
    %get3A_6 = arith.constant 0 : index
    %get3A_7 = vector.load %arg3[%get3A_5, %get3A_6] : memref<1x64xf32, #tpu.memory_space<vmem>>, vector<1x64xf32>
    %mul3A = vector.broadcast %get3A_7 : vector<1x64xf32> to vector<1000x64xf32>
    %mul3A_8 = arith.mulf %get3A_4, %mul3A : vector<1000x64xf32>
    %add3A = arith.addf %get3A_1, %mul3A_8 : vector<1000x64xf32>
    %get3A_9 = arith.constant 0 : index
    %get3A_10 = arith.constant 0 : index
    %get3A_11 = vector.load %arg4[%get3A_9, %get3A_10] : memref<1x64xf32, #tpu.memory_space<vmem>>, vector<1x64xf32>
    %add3A_12 = vector.broadcast %get3A_11 : vector<1x64xf32> to vector<1000x64xf32>
    %add3A_13 = arith.addf %add3A, %add3A_12 : vector<1000x64xf32>
    %custom_jvp_call3A = arith.constant 0.000000e+00 : f32
    %max3A = vector.broadcast %custom_jvp_call3A : f32 to vector<1000x64xf32>
    %max3A_14 = arith.maximumf %add3A_13, %max3A : vector<1000x64xf32>
    %sub3A = vector.broadcast %custom_jvp_call3A : f32 to vector<1000x64xf32>
    %sub3A_15 = arith.subf %add3A_13, %sub3A : vector<1000x64xf32>
    %ne3A = arith.cmpf one, %sub3A_15, %sub3A_15 : vector<1000x64xf32>
    %add3A_16 = vector.broadcast %custom_jvp_call3A : f32 to vector<1000x64xf32>
    %add3A_17 = arith.addf %add3A_13, %add3A_16 : vector<1000x64xf32>
    %abs3A = math.absf %sub3A_15 : vector<1000x64xf32>
    %neg3A = arith.constant 0.000000e+00 : f32
    %neg3A_18 = vector.broadcast %neg3A : f32 to vector<1000x64xf32>
    %neg3A_19 = arith.subf %neg3A_18, %abs3A : vector<1000x64xf32>
    %exp3A = math.exp %neg3A_19 : vector<1000x64xf32>
    %log1p3A = math.log1p %exp3A : vector<1000x64xf32>
    %add3A_20 = arith.addf %max3A_14, %log1p3A : vector<1000x64xf32>
    %select_n3A = arith.select %ne3A, %add3A_17, %add3A_20 : vector<1000x64xi1>, vector<1000x64xf32>
    %swap3A = arith.constant 0 : index
    %swap3A_21 = arith.constant 0 : index
    %swap3A_22 = vector.load %arg5[%swap3A, %swap3A_21] : memref<1000x64xf32, #tpu.memory_space<vmem>>, vector<1000x64xf32>
    tpu.vector_store %arg5[%swap3A, %swap3A_21], %select_n3A {strides = array<i32>} : memref<1000x64xf32, #tpu.memory_space<vmem>>, vector<1000x64xf32>,
    return
  }
  func.func @transform_0(%arg0: i32) -> (i32, i32) {
    %c0_i32 = arith.constant 0 : i32
    %c0_i32_0 = arith.constant 0 : i32
    return %arg0, %c0_i32 : i32, i32
  }
  func.func @transform_1(%arg0: i32) -> (i32, i32) {
    %c0_i32 = arith.constant 0 : i32
    %c0_i32_0 = arith.constant 0 : i32
    return %arg0, %c0_i32 : i32, i32
  }
  func.func @transform_2(%arg0: i32) -> (i32, i32) {
    %c0_i32 = arith.constant 0 : i32
    %c0_i32_0 = arith.constant 0 : i32
    %c0_i32_1 = arith.constant 0 : i32
    return %c0_i32, %c0_i32_0 : i32, i32
  }
  func.func @transform_3(%arg0: i32) -> (i32, i32) {
    %c0_i32 = arith.constant 0 : i32
    %c0_i32_0 = arith.constant 0 : i32
    %c0_i32_1 = arith.constant 0 : i32
    return %c0_i32, %c0_i32_0 : i32, i32
  }
  func.func @transform_4(%arg0: i32) -> (i32, i32) {
    %c0_i32 = arith.constant 0 : i32
    %c0_i32_0 = arith.constant 0 : i32
    return %arg0, %c0_i32 : i32, i32
  }
}

module attributes {stable_mosaic.version = 14 : i64} {
  func.func @_update_pool_body(%arg0: i32, %arg1: memref<1000x64xf32, #tpu.memory_space<vmem>>, %arg2: memref<1000x64xf32, #tpu.memory_space<vmem>>, %arg3: memref<1x64xf32, #tpu.memory_space<vmem>>, %arg4: memref<1x64xf32, #tpu.memory_space<vmem>>, %arg5: memref<1000x1xf32, #tpu.memory_space<vmem>>, %arg6: memref<256x64xf32, #tpu.memory_space<vmem>>, %arg7: memref<1x256xf32, #tpu.memory_space<vmem>>) attributes {dimension_semantics = [#tpu.dimension_semantics<arbitrary>], iteration_bounds = array<i64: 50>, scalar_prefetch = 0 : i64, scratch_operands = 0 : i64, tpu.core_type = #tpu.core_type<tc>, window_params = [{transform_indices = @transform_0, window_bounds = array<i64: 1000, 64>}, {transform_indices = @transform_1, window_bounds = array<i64: 1000, 64>}, {pipeline_mode = #tpu.pipeline_mode<synchronous>, transform_indices = @transform_2, window_bounds = array<i64: 1, 64>}, {pipeline_mode = #tpu.pipeline_mode<synchronous>, transform_indices = @transform_3, window_bounds = array<i64: 1, 64>}, {transform_indices = @transform_4, window_bounds = array<i64: 1000, 1>}, {pipeline_mode = #tpu.pipeline_mode<synchronous>, transform_indices = @transform_5, window_bounds = array<i64: 256, 64>}, {pipeline_mode = #tpu.pipeline_mode<synchronous>, transform_indices = @transform_6, window_bounds = array<i64: 1, 256>}]} {
    %get3A = arith.constant 0 : index
    %get3A_0 = arith.constant 0 : index
    %get3A_1 = vector.load %arg1[%get3A, %get3A_0] : memref<1000x64xf32, #tpu.memory_space<vmem>>, vector<1000x64xf32>
    %get3A_2 = arith.constant 0 : index
    %get3A_3 = arith.constant 0 : index
    %get3A_4 = vector.load %arg2[%get3A_2, %get3A_3] : memref<1000x64xf32, #tpu.memory_space<vmem>>, vector<1000x64xf32>
    %get3A_5 = arith.constant 0 : index
    %get3A_6 = arith.constant 0 : index
    %get3A_7 = vector.load %arg3[%get3A_5, %get3A_6] : memref<1x64xf32, #tpu.memory_space<vmem>>, vector<1x64xf32>
    %mul3A = vector.broadcast %get3A_7 : vector<1x64xf32> to vector<1000x64xf32>
    %mul3A_8 = arith.mulf %get3A_4, %mul3A : vector<1000x64xf32>
    %add3A = arith.addf %get3A_1, %mul3A_8 : vector<1000x64xf32>
    %get3A_9 = arith.constant 0 : index
    %get3A_10 = arith.constant 0 : index
    %get3A_11 = vector.load %arg4[%get3A_9, %get3A_10] : memref<1x64xf32, #tpu.memory_space<vmem>>, vector<1x64xf32>
    %add3A_12 = vector.broadcast %get3A_11 : vector<1x64xf32> to vector<1000x64xf32>
    %add3A_13 = arith.addf %add3A, %add3A_12 : vector<1000x64xf32>
    %custom_jvp_call3A = arith.constant 0.000000e+00 : f32
    %max3A = vector.broadcast %custom_jvp_call3A : f32 to vector<1000x64xf32>
    %max3A_14 = arith.maximumf %add3A_13, %max3A : vector<1000x64xf32>
    %sub3A = vector.broadcast %custom_jvp_call3A : f32 to vector<1000x64xf32>
    %sub3A_15 = arith.subf %add3A_13, %sub3A : vector<1000x64xf32>
    %ne3A = arith.cmpf one, %sub3A_15, %sub3A_15 : vector<1000x64xf32>
    %add3A_16 = vector.broadcast %custom_jvp_call3A : f32 to vector<1000x64xf32>
    %add3A_17 = arith.addf %add3A_13, %add3A_16 : vector<1000x64xf32>
    %abs3A = math.absf %sub3A_15 : vector<1000x64xf32>
    %neg3A = arith.constant 0.000000e+00 : f32
    %neg3A_18 = vector.broadcast %neg3A : f32 to vector<1000x64xf32>
    %neg3A_19 = arith.subf %neg3A_18, %abs3A : vector<1000x64xf32>
    %exp3A = math.exp %neg3A_19 : vector<1000x64xf32>
    %log1p3A = math.log1p %exp3A : vector<1000x64xf32>
    %add3A_20 = arith.addf %max3A_14, %log1p3A : vector<1000x64xf32>
    %select_n3A = arith.select %ne3A, %add3A_17, %add3A_20 : vector<1000x64xi1>, vector<1000x64xf32>
    %iota3A = tpu.iota {dimensions = array<i32: 1>} : vector<1x256xi32>
    %convert_element_type3A = arith.sitofp %iota3A : vector<1x256xi32> to vector<1x256xf32>
    %get3A_21 = arith.constant 0 : index
    %get3A_22 = arith.constant 0 : index
    %get3A_23 = vector.load %arg5[%get3A_21, %get3A_22] : memref<1000x1xf32, #tpu.memory_space<vmem>>, vector<1000x1xf32>
    %eq3A = vector.broadcast %get3A_23 : vector<1000x1xf32> to vector<1000x256xf32>
    %eq3A_24 = vector.broadcast %convert_element_type3A : vector<1x256xf32> to vector<1000x256xf32>
    %eq3A_25 = arith.cmpf oeq, %eq3A, %eq3A_24 : vector<1000x256xf32>
    %convert_element_type3A_26 = arith.extui %eq3A_25 : vector<1000x256xi1> to vector<1000x256xi32>
    %convert_element_type3A_27 = arith.sitofp %convert_element_type3A_26 : vector<1000x256xi32> to vector<1000x256xf32>
    %eq3A_28 = arith.constant 0 : i32
    %eq3A_29 = arith.cmpi eq, %arg0, %eq3A_28 : i32
    %convert_element_type3A_30 = arith.extui %eq3A_29 : i1 to i32
    %cond3A = arith.constant 0 : i32
    %cond3A_31 = arith.cmpi ne, %convert_element_type3A_30, %cond3A : i32
    scf.if %cond3A_31 {
      %broadcast_in_dim3A_47 = arith.constant 0.000000e+00 : f32
      %broadcast_in_dim3A_48 = vector.broadcast %broadcast_in_dim3A_47 : f32 to vector<256x64xf32>
      %swap3A_49 = arith.constant 0 : index
      %swap3A_50 = arith.constant 0 : index
      %swap3A_51 = vector.load %arg6[%swap3A_49, %swap3A_50] : memref<256x64xf32, #tpu.memory_space<vmem>>, vector<256x64xf32>
      tpu.vector_store %arg6[%swap3A_49, %swap3A_50], %broadcast_in_dim3A_48 {strides = array<i32>} : memref<256x64xf32, #tpu.memory_space<vmem>>, vector<256x64xf32>,
      %broadcast_in_dim3A_52 = arith.constant 0.000000e+00 : f32
      %broadcast_in_dim3A_53 = vector.broadcast %broadcast_in_dim3A_52 : f32 to vector<1x256xf32>
      %swap3A_54 = arith.constant 0 : index
      %swap3A_55 = arith.constant 0 : index
      %swap3A_56 = vector.load %arg7[%swap3A_54, %swap3A_55] : memref<1x256xf32, #tpu.memory_space<vmem>>, vector<1x256xf32>
      tpu.vector_store %arg7[%swap3A_54, %swap3A_55], %broadcast_in_dim3A_53 {strides = array<i32>} : memref<1x256xf32, #tpu.memory_space<vmem>>, vector<1x256xf32>,
    } else {
    }
    %get3A_32 = arith.constant 0 : index
    %get3A_33 = arith.constant 0 : index
    %get3A_34 = vector.load %arg6[%get3A_32, %get3A_33] : memref<256x64xf32, #tpu.memory_space<vmem>>, vector<256x64xf32>
    %dot_general3A = arith.constant dense<0.000000e+00> : vector<256x64xf32>
    %dot_general3A_35 = tpu.matmul %convert_element_type3A_27, %select_n3A, %dot_general3A {dimension_numbers = #tpu.dot_dimension_numbers<[0], [0], [1], [1], [0, 1, 1, 1], [], []>, precision = #tpu.contract_precision<fp32>, transpose_lhs_hint = false} : vector<1000x256xf32>, vector<1000x64xf32>, vector<256x64xf32> -> vector<256x64xf32>
    %add3A_36 = arith.addf %get3A_34, %dot_general3A_35 : vector<256x64xf32>
    %swap3A = arith.constant 0 : index
    %swap3A_37 = arith.constant 0 : index
    %swap3A_38 = vector.load %arg6[%swap3A, %swap3A_37] : memref<256x64xf32, #tpu.memory_space<vmem>>, vector<256x64xf32>
    tpu.vector_store %arg6[%swap3A, %swap3A_37], %add3A_36 {strides = array<i32>} : memref<256x64xf32, #tpu.memory_space<vmem>>, vector<256x64xf32>,
    %get3A_39 = arith.constant 0 : index
    %get3A_40 = arith.constant 0 : index
    %get3A_41 = vector.load %arg7[%get3A_39, %get3A_40] : memref<1x256xf32, #tpu.memory_space<vmem>>, vector<1x256xf32>
    %reduce_sum3A = arith.constant dense<0.000000e+00> : vector<256xf32>
    %reduce_sum3A_42 = vector.multi_reduction <add>, %convert_element_type3A_27, %reduce_sum3A [0] : vector<1000x256xf32> to vector<256xf32>
    %broadcast_in_dim3A = vector.shape_cast %reduce_sum3A_42 : vector<256xf32> to vector<1x256xf32>
    %add3A_43 = arith.addf %get3A_41, %broadcast_in_dim3A : vector<1x256xf32>
    %swap3A_44 = arith.constant 0 : index
    %swap3A_45 = arith.constant 0 : index
    %swap3A_46 = vector.load %arg7[%swap3A_44, %swap3A_45] : memref<1x256xf32, #tpu.memory_space<vmem>>, vector<1x256xf32>
    tpu.vector_store %arg7[%swap3A_44, %swap3A_45], %add3A_43 {strides = array<i32>} : memref<1x256xf32, #tpu.memory_space<vmem>>, vector<1x256xf32>,
    return
  }
  func.func @transform_0(%arg0: i32) -> (i32, i32) {
    %c0_i32 = arith.constant 0 : i32
    %c0_i32_0 = arith.constant 0 : i32
    return %arg0, %c0_i32 : i32, i32
  }
  func.func @transform_1(%arg0: i32) -> (i32, i32) {
    %c0_i32 = arith.constant 0 : i32
    %c0_i32_0 = arith.constant 0 : i32
    return %arg0, %c0_i32 : i32, i32
  }
  func.func @transform_2(%arg0: i32) -> (i32, i32) {
    %c0_i32 = arith.constant 0 : i32
    %c0_i32_0 = arith.constant 0 : i32
    %c0_i32_1 = arith.constant 0 : i32
    return %c0_i32, %c0_i32_0 : i32, i32
  }
  func.func @transform_3(%arg0: i32) -> (i32, i32) {
    %c0_i32 = arith.constant 0 : i32
    %c0_i32_0 = arith.constant 0 : i32
    %c0_i32_1 = arith.constant 0 : i32
    return %c0_i32, %c0_i32_0 : i32, i32
  }
  func.func @transform_4(%arg0: i32) -> (i32, i32) {
    %c0_i32 = arith.constant 0 : i32
    %c0_i32_0 = arith.constant 0 : i32
    return %arg0, %c0_i32 : i32, i32
  }
  func.func @transform_5(%arg0: i32) -> (i32, i32) {
    %c0_i32 = arith.constant 0 : i32
    %c0_i32_0 = arith.constant 0 : i32
    %c0_i32_1 = arith.constant 0 : i32
    return %c0_i32, %c0_i32_0 : i32, i32
  }
  func.func @transform_6(%arg0: i32) -> (i32, i32) {
    %c0_i32 = arith.constant 0 : i32
    %c0_i32_0 = arith.constant 0 : i32
    %c0_i32_1 = arith.constant 0 : i32
    return %c0_i32, %c0_i32_0 : i32, i32
  }
}

module attributes {stable_mosaic.version = 14 : i64} {
  func.func @_head_body(%arg0: memref<256x64xf32, #tpu.memory_space<vmem>>, %arg1: memref<256x1xf32, #tpu.memory_space<vmem>>, %arg2: memref<64x128xf32, #tpu.memory_space<vmem>>, %arg3: memref<1x128xf32, #tpu.memory_space<vmem>>, %arg4: memref<1x128xf32, #tpu.memory_space<vmem>>, %arg5: memref<1x128xf32, #tpu.memory_space<vmem>>, %arg6: memref<128x128xf32, #tpu.memory_space<vmem>>, %arg7: memref<1x128xf32, #tpu.memory_space<vmem>>, %arg8: memref<1x128xf32, #tpu.memory_space<vmem>>, %arg9: memref<1x128xf32, #tpu.memory_space<vmem>>, %arg10: memref<128x128xf32, #tpu.memory_space<vmem>>, %arg11: memref<1x128xf32, #tpu.memory_space<vmem>>, %arg12: memref<1x128xf32, #tpu.memory_space<vmem>>, %arg13: memref<1x128xf32, #tpu.memory_space<vmem>>, %arg14: memref<128x1xf32, #tpu.memory_space<vmem>>, %arg15: memref<1x1xf32, #tpu.memory_space<vmem>>, %arg16: memref<256x1xf32, #tpu.memory_space<vmem>>) attributes {dimension_semantics = [], scalar_prefetch = 0 : i64, scratch_operands = 0 : i64, tpu.core_type = #tpu.core_type<tc>} {
    %get3A = arith.constant 0 : index
    %get3A_0 = arith.constant 0 : index
    %get3A_1 = vector.load %arg0[%get3A, %get3A_0] : memref<256x64xf32, #tpu.memory_space<vmem>>, vector<256x64xf32>
    %get3A_2 = arith.constant 0 : index
    %get3A_3 = arith.constant 0 : index
    %get3A_4 = vector.load %arg1[%get3A_2, %get3A_3] : memref<256x1xf32, #tpu.memory_space<vmem>>, vector<256x1xf32>
    %mul3A = vector.broadcast %get3A_4 : vector<256x1xf32> to vector<256x64xf32>
    %mul3A_5 = arith.mulf %get3A_1, %mul3A : vector<256x64xf32>
    %get3A_6 = arith.constant 0 : index
    %get3A_7 = arith.constant 0 : index
    %get3A_8 = vector.load %arg2[%get3A_6, %get3A_7] : memref<64x128xf32, #tpu.memory_space<vmem>>, vector<64x128xf32>
    %dot_general3A = arith.constant dense<0.000000e+00> : vector<256x128xf32>
    %dot_general3A_9 = tpu.matmul %mul3A_5, %get3A_8, %dot_general3A {dimension_numbers = #tpu.dot_dimension_numbers<[1], [0], [0], [1], [0, 0, 1, 1], [], []>, precision = #tpu.contract_precision<fp32>, transpose_lhs_hint = false} : vector<256x64xf32>, vector<64x128xf32>, vector<256x128xf32> -> vector<256x128xf32>
    %get3A_10 = arith.constant 0 : index
    %get3A_11 = arith.constant 0 : index
    %get3A_12 = vector.load %arg3[%get3A_10, %get3A_11] : memref<1x128xf32, #tpu.memory_space<vmem>>, vector<1x128xf32>
    %add3A = vector.broadcast %get3A_12 : vector<1x128xf32> to vector<256x128xf32>
    %add3A_13 = arith.addf %dot_general3A_9, %add3A : vector<256x128xf32>
    %get3A_14 = arith.constant 0 : index
    %get3A_15 = arith.constant 0 : index
    %get3A_16 = vector.load %arg4[%get3A_14, %get3A_15] : memref<1x128xf32, #tpu.memory_space<vmem>>, vector<1x128xf32>
    %get3A_17 = arith.constant 0 : index
    %get3A_18 = arith.constant 0 : index
    %get3A_19 = vector.load %arg5[%get3A_17, %get3A_18] : memref<1x128xf32, #tpu.memory_space<vmem>>, vector<1x128xf32>
    %reduce_sum3A = arith.constant dense<0.000000e+00> : vector<128xf32>
    %reduce_sum3A_20 = vector.multi_reduction <add>, %add3A_13, %reduce_sum3A [0] : vector<256x128xf32> to vector<128xf32>
    %broadcast_in_dim3A = vector.shape_cast %reduce_sum3A_20 : vector<128xf32> to vector<1x128xf32>
    %div3A = arith.constant 2.560000e+02 : f32
    %div3A_21 = vector.broadcast %div3A : f32 to vector<1x128xf32>
    %div3A_22 = arith.divf %broadcast_in_dim3A, %div3A_21 : vector<1x128xf32>
    %sub3A = vector.broadcast %div3A_22 : vector<1x128xf32> to vector<256x128xf32>
    %sub3A_23 = arith.subf %add3A_13, %sub3A : vector<256x128xf32>
    %sub3A_24 = vector.broadcast %div3A_22 : vector<1x128xf32> to vector<256x128xf32>
    %sub3A_25 = arith.subf %add3A_13, %sub3A_24 : vector<256x128xf32>
    %mul3A_26 = arith.mulf %sub3A_23, %sub3A_25 : vector<256x128xf32>
    %reduce_sum3A_27 = arith.constant dense<0.000000e+00> : vector<128xf32>
    %reduce_sum3A_28 = vector.multi_reduction <add>, %mul3A_26, %reduce_sum3A_27 [0] : vector<256x128xf32> to vector<128xf32>
    %broadcast_in_dim3A_29 = vector.shape_cast %reduce_sum3A_28 : vector<128xf32> to vector<1x128xf32>
    %div3A_30 = arith.constant 2.560000e+02 : f32
    %div3A_31 = vector.broadcast %div3A_30 : f32 to vector<1x128xf32>
    %div3A_32 = arith.divf %broadcast_in_dim3A_29, %div3A_31 : vector<1x128xf32>
    %sub3A_33 = vector.broadcast %div3A_22 : vector<1x128xf32> to vector<256x128xf32>
    %sub3A_34 = arith.subf %add3A_13, %sub3A_33 : vector<256x128xf32>
    %add3A_35 = arith.constant 9.99999974E-6 : f32
    %add3A_36 = vector.broadcast %add3A_35 : f32 to vector<1x128xf32>
    %add3A_37 = arith.addf %div3A_32, %add3A_36 : vector<1x128xf32>
    %rsqrt3A = math.rsqrt %add3A_37 : vector<1x128xf32>
    %mul3A_38 = vector.broadcast %rsqrt3A : vector<1x128xf32> to vector<256x128xf32>
    %mul3A_39 = arith.mulf %sub3A_34, %mul3A_38 : vector<256x128xf32>
    %mul3A_40 = vector.broadcast %get3A_16 : vector<1x128xf32> to vector<256x128xf32>
    %mul3A_41 = arith.mulf %mul3A_39, %mul3A_40 : vector<256x128xf32>
    %add3A_42 = vector.broadcast %get3A_19 : vector<1x128xf32> to vector<256x128xf32>
    %add3A_43 = arith.addf %mul3A_41, %add3A_42 : vector<256x128xf32>
    %max3A = arith.constant 0.000000e+00 : f32
    %max3A_44 = vector.broadcast %max3A : f32 to vector<256x128xf32>
    %max3A_45 = arith.maximumf %add3A_43, %max3A_44 : vector<256x128xf32>
    %get3A_46 = arith.constant 0 : index
    %get3A_47 = arith.constant 0 : index
    %get3A_48 = vector.load %arg6[%get3A_46, %get3A_47] : memref<128x128xf32, #tpu.memory_space<vmem>>, vector<128x128xf32>
    %dot_general3A_49 = arith.constant dense<0.000000e+00> : vector<256x128xf32>
    %dot_general3A_50 = tpu.matmul %max3A_45, %get3A_48, %dot_general3A_49 {dimension_numbers = #tpu.dot_dimension_numbers<[1], [0], [0], [1], [0, 0, 1, 1], [], []>, precision = #tpu.contract_precision<fp32>, transpose_lhs_hint = false} : vector<256x128xf32>, vector<128x128xf32>, vector<256x128xf32> -> vector<256x128xf32>
    %get3A_51 = arith.constant 0 : index
    %get3A_52 = arith.constant 0 : index
    %get3A_53 = vector.load %arg7[%get3A_51, %get3A_52] : memref<1x128xf32, #tpu.memory_space<vmem>>, vector<1x128xf32>
    %add3A_54 = vector.broadcast %get3A_53 : vector<1x128xf32> to vector<256x128xf32>
    %add3A_55 = arith.addf %dot_general3A_50, %add3A_54 : vector<256x128xf32>
    %get3A_56 = arith.constant 0 : index
    %get3A_57 = arith.constant 0 : index
    %get3A_58 = vector.load %arg8[%get3A_56, %get3A_57] : memref<1x128xf32, #tpu.memory_space<vmem>>, vector<1x128xf32>
    %get3A_59 = arith.constant 0 : index
    %get3A_60 = arith.constant 0 : index
    %get3A_61 = vector.load %arg9[%get3A_59, %get3A_60] : memref<1x128xf32, #tpu.memory_space<vmem>>, vector<1x128xf32>
    %reduce_sum3A_62 = arith.constant dense<0.000000e+00> : vector<128xf32>
    %reduce_sum3A_63 = vector.multi_reduction <add>, %add3A_55, %reduce_sum3A_62 [0] : vector<256x128xf32> to vector<128xf32>
    %broadcast_in_dim3A_64 = vector.shape_cast %reduce_sum3A_63 : vector<128xf32> to vector<1x128xf32>
    %div3A_65 = arith.constant 2.560000e+02 : f32
    %div3A_66 = vector.broadcast %div3A_65 : f32 to vector<1x128xf32>
    %div3A_67 = arith.divf %broadcast_in_dim3A_64, %div3A_66 : vector<1x128xf32>
    %sub3A_68 = vector.broadcast %div3A_67 : vector<1x128xf32> to vector<256x128xf32>
    %sub3A_69 = arith.subf %add3A_55, %sub3A_68 : vector<256x128xf32>
    %sub3A_70 = vector.broadcast %div3A_67 : vector<1x128xf32> to vector<256x128xf32>
    %sub3A_71 = arith.subf %add3A_55, %sub3A_70 : vector<256x128xf32>
    %mul3A_72 = arith.mulf %sub3A_69, %sub3A_71 : vector<256x128xf32>
    %reduce_sum3A_73 = arith.constant dense<0.000000e+00> : vector<128xf32>
    %reduce_sum3A_74 = vector.multi_reduction <add>, %mul3A_72, %reduce_sum3A_73 [0] : vector<256x128xf32> to vector<128xf32>
    %broadcast_in_dim3A_75 = vector.shape_cast %reduce_sum3A_74 : vector<128xf32> to vector<1x128xf32>
    %div3A_76 = arith.constant 2.560000e+02 : f32
    %div3A_77 = vector.broadcast %div3A_76 : f32 to vector<1x128xf32>
    %div3A_78 = arith.divf %broadcast_in_dim3A_75, %div3A_77 : vector<1x128xf32>
    %sub3A_79 = vector.broadcast %div3A_67 : vector<1x128xf32> to vector<256x128xf32>
    %sub3A_80 = arith.subf %add3A_55, %sub3A_79 : vector<256x128xf32>
    %add3A_81 = arith.constant 9.99999974E-6 : f32
    %add3A_82 = vector.broadcast %add3A_81 : f32 to vector<1x128xf32>
    %add3A_83 = arith.addf %div3A_78, %add3A_82 : vector<1x128xf32>
    %rsqrt3A_84 = math.rsqrt %add3A_83 : vector<1x128xf32>
    %mul3A_85 = vector.broadcast %rsqrt3A_84 : vector<1x128xf32> to vector<256x128xf32>
    %mul3A_86 = arith.mulf %sub3A_80, %mul3A_85 : vector<256x128xf32>
    %mul3A_87 = vector.broadcast %get3A_58 : vector<1x128xf32> to vector<256x128xf32>
    %mul3A_88 = arith.mulf %mul3A_86, %mul3A_87 : vector<256x128xf32>
    %add3A_89 = vector.broadcast %get3A_61 : vector<1x128xf32> to vector<256x128xf32>
    %add3A_90 = arith.addf %mul3A_88, %add3A_89 : vector<256x128xf32>
    %max3A_91 = arith.constant 0.000000e+00 : f32
    %max3A_92 = vector.broadcast %max3A_91 : f32 to vector<256x128xf32>
    %max3A_93 = arith.maximumf %add3A_90, %max3A_92 : vector<256x128xf32>
    %get3A_94 = arith.constant 0 : index
    %get3A_95 = arith.constant 0 : index
    %get3A_96 = vector.load %arg10[%get3A_94, %get3A_95] : memref<128x128xf32, #tpu.memory_space<vmem>>, vector<128x128xf32>
    %dot_general3A_97 = arith.constant dense<0.000000e+00> : vector<256x128xf32>
    %dot_general3A_98 = tpu.matmul %max3A_93, %get3A_96, %dot_general3A_97 {dimension_numbers = #tpu.dot_dimension_numbers<[1], [0], [0], [1], [0, 0, 1, 1], [], []>, precision = #tpu.contract_precision<fp32>, transpose_lhs_hint = false} : vector<256x128xf32>, vector<128x128xf32>, vector<256x128xf32> -> vector<256x128xf32>
    %get3A_99 = arith.constant 0 : index
    %get3A_100 = arith.constant 0 : index
    %get3A_101 = vector.load %arg11[%get3A_99, %get3A_100] : memref<1x128xf32, #tpu.memory_space<vmem>>, vector<1x128xf32>
    %add3A_102 = vector.broadcast %get3A_101 : vector<1x128xf32> to vector<256x128xf32>
    %add3A_103 = arith.addf %dot_general3A_98, %add3A_102 : vector<256x128xf32>
    %get3A_104 = arith.constant 0 : index
    %get3A_105 = arith.constant 0 : index
    %get3A_106 = vector.load %arg12[%get3A_104, %get3A_105] : memref<1x128xf32, #tpu.memory_space<vmem>>, vector<1x128xf32>
    %get3A_107 = arith.constant 0 : index
    %get3A_108 = arith.constant 0 : index
    %get3A_109 = vector.load %arg13[%get3A_107, %get3A_108] : memref<1x128xf32, #tpu.memory_space<vmem>>, vector<1x128xf32>
    %reduce_sum3A_110 = arith.constant dense<0.000000e+00> : vector<128xf32>
    %reduce_sum3A_111 = vector.multi_reduction <add>, %add3A_103, %reduce_sum3A_110 [0] : vector<256x128xf32> to vector<128xf32>
    %broadcast_in_dim3A_112 = vector.shape_cast %reduce_sum3A_111 : vector<128xf32> to vector<1x128xf32>
    %div3A_113 = arith.constant 2.560000e+02 : f32
    %div3A_114 = vector.broadcast %div3A_113 : f32 to vector<1x128xf32>
    %div3A_115 = arith.divf %broadcast_in_dim3A_112, %div3A_114 : vector<1x128xf32>
    %sub3A_116 = vector.broadcast %div3A_115 : vector<1x128xf32> to vector<256x128xf32>
    %sub3A_117 = arith.subf %add3A_103, %sub3A_116 : vector<256x128xf32>
    %sub3A_118 = vector.broadcast %div3A_115 : vector<1x128xf32> to vector<256x128xf32>
    %sub3A_119 = arith.subf %add3A_103, %sub3A_118 : vector<256x128xf32>
    %mul3A_120 = arith.mulf %sub3A_117, %sub3A_119 : vector<256x128xf32>
    %reduce_sum3A_121 = arith.constant dense<0.000000e+00> : vector<128xf32>
    %reduce_sum3A_122 = vector.multi_reduction <add>, %mul3A_120, %reduce_sum3A_121 [0] : vector<256x128xf32> to vector<128xf32>
    %broadcast_in_dim3A_123 = vector.shape_cast %reduce_sum3A_122 : vector<128xf32> to vector<1x128xf32>
    %div3A_124 = arith.constant 2.560000e+02 : f32
    %div3A_125 = vector.broadcast %div3A_124 : f32 to vector<1x128xf32>
    %div3A_126 = arith.divf %broadcast_in_dim3A_123, %div3A_125 : vector<1x128xf32>
    %sub3A_127 = vector.broadcast %div3A_115 : vector<1x128xf32> to vector<256x128xf32>
    %sub3A_128 = arith.subf %add3A_103, %sub3A_127 : vector<256x128xf32>
    %add3A_129 = arith.constant 9.99999974E-6 : f32
    %add3A_130 = vector.broadcast %add3A_129 : f32 to vector<1x128xf32>
    %add3A_131 = arith.addf %div3A_126, %add3A_130 : vector<1x128xf32>
    %rsqrt3A_132 = math.rsqrt %add3A_131 : vector<1x128xf32>
    %mul3A_133 = vector.broadcast %rsqrt3A_132 : vector<1x128xf32> to vector<256x128xf32>
    %mul3A_134 = arith.mulf %sub3A_128, %mul3A_133 : vector<256x128xf32>
    %mul3A_135 = vector.broadcast %get3A_106 : vector<1x128xf32> to vector<256x128xf32>
    %mul3A_136 = arith.mulf %mul3A_134, %mul3A_135 : vector<256x128xf32>
    %add3A_137 = vector.broadcast %get3A_109 : vector<1x128xf32> to vector<256x128xf32>
    %add3A_138 = arith.addf %mul3A_136, %add3A_137 : vector<256x128xf32>
    %max3A_139 = arith.constant 0.000000e+00 : f32
    %max3A_140 = vector.broadcast %max3A_139 : f32 to vector<256x128xf32>
    %max3A_141 = arith.maximumf %add3A_138, %max3A_140 : vector<256x128xf32>
    %get3A_142 = arith.constant 0 : index
    %get3A_143 = arith.constant 0 : index
    %get3A_144 = vector.load %arg14[%get3A_142, %get3A_143] : memref<128x1xf32, #tpu.memory_space<vmem>>, vector<128x1xf32>
    %dot_general3A_145 = arith.constant dense<0.000000e+00> : vector<256x1xf32>
    %dot_general3A_146 = tpu.matmul %max3A_141, %get3A_144, %dot_general3A_145 {dimension_numbers = #tpu.dot_dimension_numbers<[1], [0], [0], [1], [0, 0, 1, 1], [], []>, precision = #tpu.contract_precision<fp32>, transpose_lhs_hint = false} : vector<256x128xf32>, vector<128x1xf32>, vector<256x1xf32> -> vector<256x1xf32>
    %get3A_147 = arith.constant 0 : index
    %get3A_148 = arith.constant 0 : index
    %get3A_149 = vector.load %arg15[%get3A_147, %get3A_148] : memref<1x1xf32, #tpu.memory_space<vmem>>, vector<1x1xf32>
    %add3A_150 = vector.broadcast %get3A_149 : vector<1x1xf32> to vector<256x1xf32>
    %add3A_151 = arith.addf %dot_general3A_146, %add3A_150 : vector<256x1xf32>
    %swap3A = arith.constant 0 : index
    %swap3A_152 = arith.constant 0 : index
    %swap3A_153 = vector.load %arg16[%swap3A, %swap3A_152] : memref<256x1xf32, #tpu.memory_space<vmem>>, vector<256x1xf32>
    tpu.vector_store %arg16[%swap3A, %swap3A_152], %add3A_151 {strides = array<i32>} : memref<256x1xf32, #tpu.memory_space<vmem>>, vector<256x1xf32>,
    return
  }
}

</mosaic_0001>

<sc_bundles>
// kernel: kernel.16.cloned.1.call-start
scs
__scs_entry_jumppad:
0x0: {  	(pc) =	sbr.rel $0x88, $3  }
0x1: {  	(tag) =	ssettag $0x0;
	lr =	simm.s32 $0x1  }
0x2: {  	[smem:$0x3F87] =	sst lr;
	_ =	strace $0xD0000000  }
0x3: {  	_ = 	snop  }
0x4: {  	_ = 	snop  }
0x5: {  	_ = 	snop  }
0x6: {  	_ = 	snop  }
0x7: {  	_ = 	snop  }
__scs_overlays_trampoline_lowered:
0x8: {  	[smem:$0x3F96] =	sst s0  }
0x9: {  	[smem:$0x3F97] =	sst s1  }
0xa: {  	[smem:$0x3F98] =	sst s2  }
0xb: {  	[smem:$0x3F99] =	sst s3  }
0xc: {  	[smem:$0x3F9A] =	sst s4  }
0xd: {  	[smem:$0x3F9B] =	sst s5  }
0xe: {  	[smem:$0x3F9C] =	sst s6  }
0xf: {  	[smem:$0x3F9D] =	sst s7  }
0x10: {  	[smem:$0x3F9E] =	sst s8  }
0x11: {  	[smem:$0x3F9F] =	sst s9;
	s0 =	simm.s32 @!p0 $0x0  }
0x12: {  	s1 =	sld [smem:$0x3F85];
	s0 =	simm.s32 @p0 $0x1  }
0x13: {  	[smem:$0x3FA0] =	sst s0;
	s0 =	simm.s32 @!p1 $0x0  }
0x14: {  	s2 =	sld [smem:$0x3F84];
	s0 =	simm.s32 @p1 $0x1  }
0x15: {  	[smem:$0x3FA1] =	sst s0;
	s0 =	simm.s32 @!p2 $0x0  }
0x16: {  	s3 =	sld [smem:$0x3FDB];
	s0 =	simm.s32 @p2 $0x1  }
0x17: {  	s4 =	simm.s32 $0x1BF5;
	[smem:$0x3FA3] =	sst s0  }
0x18: {  	s0 =	sld [smem:$0x3F86];
	_ =	swait.ge [sflag:s4], $0x0  }
0x19: {  	s7 =	sld [smem:$0x3F87]  }
0x1a: {  	s8 =	sadd.s32 $0xFFFFE003, lr  }
0x1b: {  	s9 =	sadd.s32 $0xFFFFFEF7, lr;
	s5 =	simm.s32 $0xFFFFFFFF;
	p2 =	slt.u32 s8, $0xFFFFF086  }
0x1c: {  	p1 =	slt.u32 s9, $0xF7A;
	s5 =	simm.s32 @!p2 $0x0  }
0x1d: {  	s5 =	simm.s32 @p1 $0x1;
	p0 =	seq.s32 s7, s2  }
0x1e: {  	s7 =	smul.u32 @!p0 $0xF7A, s2;
	p2 =	seq.s32 @!p0 s5, $0x0  }
0x1f: {  	s9 =	smul.u32 $0xF7A, s1;
	s8 =	simm.s32 @!p0 $0x1BF5;
	p2 =	por !p2, p0  }
0x20: {  	[sflag:s8] =	ssyncset.s32 @!p0 $0xFFFFF086;
	s6 =	sadd.s32 @!p0 s3, s7;
	s7 =	simm.s32 @!p0 $0x108  }
0x21: {  	s3 =	sadd.s32 s3, s9;
	s6 =	sadd.s32 @!p0 $0x88, s6;
	s7 =	simm.s32 @p2 $0x1082  }
0x22: {  	[simem:s7], [sflag:s8] =	dma.local @!p0 [hbm:s6], $0xF7A  }
0x23: {  	s9 =	sor.u32 $0xD0000000, s2;
	s6 =	simm.s32 $0x108;
	_ =	swait.ge @!p0 [sflag:s8], $0x0  }
0x24: {  	s3 =	sadd.s32 $0x88, s3;
	s6 =	simm.s32 @!p1 $0x1082;
	[sflag:s4] =	ssyncset.s32 $0xFFFFF086  }
0x25: {  	[simem:s6], [sflag:s4] =	dma.local [hbm:s3], $0xF7A  }
0x26: {  	[smem:$0x3F87] =	sst s1;
	(tag) =	ssettag s2;
	_ =	strace s9  }
0x27: {  	s1 =	sld [smem:$0x3F97]  }
0x28: {  	s2 =	sld [smem:$0x3F98]  }
0x29: {  	s4 =	sld [smem:$0x3F9A]  }
0x2a: {  	p0 =	seq.s32 s5, $0x0;
	s5 =	sld [smem:$0x3F9B]  }
0x2b: {  	s6 =	sld [smem:$0x3F9C]  }
0x2c: {  	s7 =	sld [smem:$0x3F9D]  }
0x2d: {  	s3 =	simm.s32 $0x108;
	s8 =	sld [smem:$0x3F9E]  }
0x2e: {  	s3 =	simm.s32 @!p0 $0x1082;
	s9 =	sld [smem:$0x3F9F]  }
0x2f: {  	lr =	sadd.s32 s0, s3;
	s0 =	sld [smem:$0x3F96]  }
0x30: {  	s3 =	sld [smem:$0x3F99]  }
0x31: {  	[smem:$0x3FA2] =	sst s10  }
0x32: {  	s10 =	sld [smem:$0x3FA0];
	_ =	sdelay $0x3  }
0x33: {  	p0 =	seq.s32 s10, $0x1;
	s10 =	sld [smem:$0x3FA2];
	_ =	sdelay $0x3  }
0x34: {  	[smem:$0x3FA2] =	sst s10  }
0x35: {  	s10 =	sld [smem:$0x3FA1];
	_ =	sdelay $0x3  }
0x36: {  	p1 =	seq.s32 s10, $0x1;
	s10 =	sld [smem:$0x3FA2];
	_ =	sdelay $0x3  }
0x37: {  	[smem:$0x3FA2] =	sst s10  }
0x38: {  	s10 =	sld [smem:$0x3FA3]  }
0x39: {  	_ = 	snop;
	(pc) =	sbr.ind lr, $3  }
0x3a: {  	_ = 	snop  }
0x3b: {  	_ = 	snop  }
0x3c: {  	p2 =	seq.s32 s10, $0x1;
	s10 =	sld [smem:$0x3FA2]  }
0x3d: {  	_ =	shalt  }
0x3e: {  	_ =	shalt  }
0x3f: {  	_ =	shalt  }
0x40: {  	_ =	shalt  }
0x41: {  	_ =	shalt  }
0x42: {  	_ =	shalt  }
0x43: {  	_ =	shalt  }
0x44: {  	_ =	shalt  }
0x45: {  	_ =	shalt  }
0x46: {  	_ =	shalt  }
0x47: {  	_ =	shalt  }
0x48: {  	_ =	shalt  }
0x49: {  	_ =	shalt  }
0x4a: {  	_ =	shalt  }
0x4b: {  	_ =	shalt  }
0x4c: {  	_ =	shalt  }
0x4d: {  	_ =	shalt  }
0x4e: {  	_ =	shalt  }
0x4f: {  	_ =	shalt  }
0x50: {  	_ =	shalt  }
0x51: {  	_ =	shalt  }
0x52: {  	_ =	shalt  }
0x53: {  	_ =	shalt  }
0x54: {  	_ =	shalt  }
0x55: {  	_ =	shalt  }
0x56: {  	_ =	shalt  }
0x57: {  	_ =	shalt  }
0x58: {  	_ =	shalt  }
0x59: {  	_ =	shalt  }
0x5a: {  	_ =	shalt  }
0x5b: {  	_ =	shalt  }
0x5c: {  	_ =	shalt  }
0x5d: {  	_ =	shalt  }
0x5e: {  	_ =	shalt  }
0x5f: {  	_ =	shalt  }
0x60: {  	_ =	shalt  }
0x61: {  	_ =	shalt  }
0x62: {  	_ =	shalt  }
0x63: {  	_ =	shalt  }
0x64: {  	_ =	shalt  }
0x65: {  	_ =	shalt  }
0x66: {  	_ =	shalt  }
0x67: {  	_ =	shalt  }
0x68: {  	_ =	shalt  }
0x69: {  	_ =	shalt  }
0x6a: {  	_ =	shalt  }
0x6b: {  	_ =	shalt  }
0x6c: {  	_ =	shalt  }
0x6d: {  	_ =	shalt  }
0x6e: {  	_ =	shalt  }
0x6f: {  	_ =	shalt  }
0x70: {  	_ =	shalt  }
0x71: {  	_ =	shalt  }
0x72: {  	_ =	shalt  }
0x73: {  	_ =	shalt  }
0x74: {  	_ =	shalt  }
0x75: {  	_ =	shalt  }
0x76: {  	_ =	shalt  }
0x77: {  	_ =	shalt  }
0x78: {  	_ =	shalt  }
0x79: {  	_ =	shalt  }
0x7a: {  	_ =	shalt  }
0x7b: {  	_ =	shalt  }
0x7c: {  	_ =	shalt  }
0x7d: {  	_ =	shalt  }
0x7e: {  	_ =	shalt  }
0x7f: {  	_ =	shalt  }
0x80: {  	_ =	shalt  }
0x81: {  	_ =	shalt  }
0x82: {  	_ =	shalt  }
0x83: {  	_ =	shalt  }
0x84: {  	_ =	shalt  }
0x85: {  	_ =	shalt  }
0x86: {  	_ =	shalt  }
0x87: {  	_ =	shalt  }
.Lfunc_end0:
.L_simem_size_0:
called_computation_lowered:
.L_overlay_start_0:
0x88: {  	s2 =	sld [smem:$0x3FD9]  }
0x89: {  	s3 =	sld [smem:$0x3FFE];
	_ =	sdelay $0x1  }
0x8a: {  	s1 =	srdreg.scid  }
0x8b: {  	s0 =	sand.u32 $0x1, s1  }
0x8c: {  	s16 =	sshll.u32 s0, $0xA;
	s2 =	sadd.s32 s3, s2  }
0x8d: {  	s2 =	sadd.s32 s2, s16  }
0x8e: {  	[smem:$0x3FAE] =	sst s2  }
0x8f: {  	_ = 	snop  }
0x90: {  	(tm) =	ssettm $0x1  }
0x91: {  	s17 =	sld [smem:$0x3FFB];
	_ =	sdelay $0x3  }
0x92: {  	_ =	strace s17  }
0x93: {  	s2 =	sld [smem:$0x3FFC];
	_ =	sdelay $0x3  }
0x94: {  	_ =	strace s2  }
0x95: {  	s2 =	sld [smem:$0x3FFD];
	_ =	sdelay $0x3  }
0x96: {  	_ =	strace s2  }
0x97: {  	_ =	strace $0x8FFFFFFF  }
0x98: {  	s18 =	sld [smem:$0x3FDB];
	_ =	sdelay $0x1  }
0x99: {  	s19 =	simm.s32 $_scs_section_size  }
0x9a: {  	s4 =	simm.s32 $_size__tile_overlayer_lowered;
	s5 =	simm.s32 $_tile_overlayer_lowered  }
0x9b: {  	s22 =	simm.s32 $0x1BFF;
	s21 =	sshll.u32 s5, $0x1;
	s2 =	sadd.s32 s19, s18  }
0x9c: {  	s6 =	simm.s32 $0x0;
	s20 =	sshll.u32 s4, $0x1;
	s4 =	sadd.s32 s21, s2  }
0x9d: {  	[timem:s6], [sflag:s22] =	dma.local [hbm:s4], s20  }
0x9e: {  	_ =	swait.ge [sflag:s22], s20  }
0x9f: {  	s3 =	ssub.s32 $0x0, s20;
	[sflag:s22] =	ssyncset.done $0x0  }
0xa0: {  	[sflag:s22] =	ssyncadd.s32 s3;
	_ =	sdelay $0x1  }
0xa1: {  	s23 =	simm.s32 $0x1B8B  }
0xa2: {  	_ =	swait.ge [sflag:s23], $0x1  }
0xa3: {  	[sflag:s23] =	ssyncset.done $0x0  }
0xa4: {  	s25 =	simm.s32 $0x1B8E;
	s24 =	sld [smem:$0x3FFE];
	[sflag:s23] =	ssyncadd.s32 $0xFFFFFFFF  }
0xa5: {  	s26 =	simm.s32 $execute0_lowered;
	[smem:$0x3FD2] =	sst s25  }
0xa6: {  	s4 =	sshll.u32 s26, $0x1;
	_ =	strace $0x80000046;
	[dreg:$0x1] =	wrdreg $0xFFFFFFFF  }
0xa7: {  	s28 =	simm.s32 $_size_execute0_lowered;
	s2 =	sadd.s32 s2, s4;
	[dreg:$0x0] =	wrdreg $0x0  }
0xa8: {  	s4 =	sshll.u32 s28, $0x1;
	[dreg:$0x2] =	wrdreg s2  }
0xa9: {  	[dreg:$0x3] =	wrdreg s4  }
0xaa: {  	[dreg:$0x4] =	wrdreg $0xC0  }
0xab: {  	_ =	task [dreg:s6], $0x5FFFF  }
0xac: {  	[dreg:$0x1] =	wrdreg $0xFFFFFFFF  }
0xad: {  	[dreg:$0x0] =	wrdreg $0x60  }
0xae: {  	[dreg:$0x2] =	wrdreg s24  }
0xaf: {  	[dreg:$0x3] =	wrdreg $0x9  }
0xb0: {  	_ =	task.clear_ibuf [dreg:s6], $0x4FFFF;
	_ =	strace $0x90000046  }
0xb1: {  	s29 =	simm.s32 $0x9;
	_ =	strace $0x80000048  }
0xb2: {  	_ =	swait.ge [sflag:s29], $0x1  }
0xb3: {  	[sflag:s29] =	ssyncadd.s32 $0xFFFFFFFF  }
0xb4: {  	_ =	strace $0x90000048  }
0xb5: {  	_ =	sfence  }
0xb6: {  	s30 =	sld [smem:$0x0];
	_ =	sdelay $0x2  }
0xb7: {  	s31 =	sshll.u32 s1, $0xD;
	s1 =	sshrl.u32 s1, $0x2  }
0xb8: {  	s3 =	sand.u32 $0x4000, s31;
	s1 =	sadd.s32 s1, s30  }
0xb9: {  	s0 =	sor.u32 s3, s0;
	s1 =	sshll.u32 s1, $0x11  }
0xba: {  	s0 =	sor.u32 s1, s0  }
0xbb: {  	s0 =	sadd.s32 $0x8F2B, s0  }
0xbc: {  	[sflag:s0] =	ssyncadd.remote.s32 $0x1  }
0xbd: {  	_ =	sfence.sel $0xFFFF  }
0xbe: {  	[dreg:$0x0] =	wrdreg $0xFFFFFFFF;
	(pc) =	sbr.abs _section_cstart, $3  }
0xbf: {  	[dreg:$0x1] =	wrdreg $0xFFFFFFFF  }
0xc0: {  	_ =	task.clear_ibuf [dreg:s6], $0x2FFFF;
	_ =	strace $0x9FFFFFFF  }
0xc1: {  	(tm) =	ssettm $0x7FFFFFFF  }
tec
execute0_lowered:
.L_overlay_start_1:
0x0: {  	(tag) =	ssettag $0x1  }
0x1: {  	s4 =	rddreg [dreg:$0x0]  }
0x2: {  	s0 =	rddreg [dreg:$0x1];
	s1 =	simm.s32 $0x0;
	s5 =	srdreg.scid  }
0x3: {  	s2 =	stileid.u32;
	[smem:$0x7FF] =	sst s1  }
0x4: {  	s3 =	sadd.s32 $0x6400, s4;
	s5 =	sand.u32 $0x1, s5;
	s6 =	sshll.u32 s2, $0x5  }
0x5: {  	s7 =	sshll.u32 s2, $0xB;
	_ =	strace $0x80000047;
	s8 =	ssub.s32 $0x2, s5  }
0x6: {  	s6 =	sadd.s32 s6, s4;
	s7 =	sadd.s32 s7, s4;
	s9 =	sshll.u32 s5, $0xA  }
0x7: {  	s5 =	sshll.u32 s5, $0x4;
	s4 =	sshll.u32 s2, $0x1;
	s30 =	sshrl.u32 s8, $0x1  }
0x8: {  	s7 =	sadd.s32 s9, s7;
	s31 =	sadd.s32 s5, s6;
	s8 =	ssub.s32 s8, s30  }
0x9: {  	s6 =	sadd.s32 $0x18D000, s7;
	s7 =	sadd.s32 $0x68000, s31;
	s5 =	smax.u32 s8, $0x1  }
.LBB2_1:
0xa: {  	s8 =	sadd.s32 $0x0, s4  }
0xb: {  	p0 =	sgt.u32 s8, $0x1869  }
0xc: {  	s8 =	simm.s32 @!p0 $0x0;
	s9 =	simm.s32 @!p0 $0x3  }
0xd: {  	[tilespmem:s8], [sflag:$0x3] =	stream.linear.gather @!p0 [hbm4b:s7+s8], $0x80, $0x38;
	[tilespmem:$0x2080] =	vst v63  }
0xe: {  	_ =	swait.ge @!p0 [sflag:s9], $0x80  }
0xf: {  	[sflag:s9] =	ssyncset.done @!p0 $0x0;
	p0 =	por p0, p0  }
0x10: {  	[sflag:s9] =	ssyncadd.s32 @!p0 $0xFFFFFF80;
	s10 =	simm.s32 @!p0 $0x80;
	s11 =	simm.s32 @!p0 $0x1  }
0x11: {  	[tilespmem:s10], [sflag:$0x1] =	stream.indirect.gather @!p0 [hbm4b:s3+s10], $0x40, s8, s10, $0xb8;
	[tilespmem:$0x2080] =	vst v63  }
0x12: {  	_ =	swait.ge @!p0 [sflag:s11], $0x2000  }
0x13: {  	[sflag:s11] =	ssyncset.done @!p0 $0x0  }
0x14: {  	s31 =	sadd.s32 $0x20, s4;
	[sflag:s11] =	ssyncadd.s32 @!p0 $0xFFFFE000;
	s11 =	simm.s32 @!p0 $0x2  }
0x15: {  	[hbm4b:s6+s8] =	stream.linear.scatter @!p0 [tilespmem:s10], [sflag:$0x2], $0x2000, $0x38;
	[tilespmem:$0x2080] =	vst v63  }
0x16: {  	p1 =	sgt.u32 s31, $0x1869;
	s9 =	simm.s32 $0x40;
	_ =	swait.ge @!p0 [sflag:s11], $0x2000  }
0x17: {  	s10 =	sadd.s32 $0x200, s7;
	s8 =	sadd.s32 $0x8000, s6;
	[sflag:s11] =	ssyncset.done @!p0 $0x0  }
.LBB2_2:
0x18: {  	s12 =	simm.s32 @!p1 $0x0;
	s13 =	simm.s32 @!p1 $0x3;
	[sflag:s11] =	ssyncadd.s32 @!p0 $0xFFFFE000  }
0x19: {  	[tilespmem:s12], [sflag:$0x3] =	stream.linear.gather @!p1 [hbm4b:s10+s12], $0x80, $0x38;
	[tilespmem:$0x2080] =	vst v63  }
0x1a: {  	s14 =	smov.u32 s9;
	s9 =	sadd.s32 $0x20, s9;
	_ =	swait.ge @!p1 [sflag:s13], $0x80  }
0x1b: {  	p0 =	por p1, p1;
	p2 =	sne.s32 s9, $0x1880;
	[sflag:s13] =	ssyncset.done @!p1 $0x0  }
0x1c: {  	s11 =	simm.s32 @!p0 $0x1;
	[sflag:s13] =	ssyncadd.s32 @!p0 $0xFFFFFF80;
	s13 =	simm.s32 @!p0 $0x80  }
0x1d: {  	[tilespmem:s13], [sflag:$0x1] =	stream.indirect.gather @!p0 [hbm4b:s3+s13], $0x40, s12, s13, $0xb8;
	[tilespmem:$0x2080] =	vst v63  }
0x1e: {  	_ =	swait.ge @!p0 [sflag:s11], $0x2000  }
.Ltmp0:
0x1f: {  	[sflag:s11] =	ssyncset.done @!p0 $0x0;
	(pc) =	sbr.rel @p2 .LBB2_2-.Ltmp0, $4  }
0x20: {  	[sflag:s11] =	ssyncadd.s32 @!p0 $0xFFFFE000;
	s11 =	simm.s32 @!p0 $0x2  }
0x21: {  	[hbm4b:s8+s12] =	stream.linear.scatter @!p0 [tilespmem:s13], [sflag:$0x2], $0x2000, $0x38;
	[tilespmem:$0x2080] =	vst v63  }
0x22: {  	s10 =	sadd.s32 $0x200, s10;
	s12 =	sadd.s32 s14, s4;
	_ =	swait.ge @!p0 [sflag:s11], $0x2000  }
0x23: {  	s8 =	sadd.s32 $0x8000, s8;
	p1 =	sgt.u32 s12, $0x1869;
	[sflag:s11] =	ssyncset.done @!p0 $0x0  }
0x24: {  	s9 =	simm.s32 @!p1 $0x0;
	s12 =	simm.s32 @!p1 $0x3;
	[sflag:s11] =	ssyncadd.s32 @!p0 $0xFFFFE000  }
0x25: {  	[tilespmem:s9], [sflag:$0x3] =	stream.linear.gather @!p1 [hbm4b:s10+s9], $0x80, $0x38;
	[tilespmem:$0x2080] =	vst v63  }
0x26: {  	_ =	swait.ge @!p1 [sflag:s12], $0x80  }
0x27: {  	p0 =	por p1, p1;
	[sflag:s12] =	ssyncset.done @!p1 $0x0  }
0x28: {  	s10 =	simm.s32 @!p0 $0x80;
	s11 =	simm.s32 @!p0 $0x1;
	[sflag:s12] =	ssyncadd.s32 @!p0 $0xFFFFFF80  }
0x29: {  	[tilespmem:s10], [sflag:$0x1] =	stream.indirect.gather @!p0 [hbm4b:s3+s10], $0x40, s9, s10, $0xb8;
	[tilespmem:$0x2080] =	vst v63  }
0x2a: {  	s1 =	sadd.s32 $0x1, s1;
	_ =	swait.ge @!p0 [sflag:s11], $0x2000  }
0x2b: {  	p1 =	sne.s32 s1, s5;
	[sflag:s11] =	ssyncset.done @!p0 $0x0  }
.Ltmp1:
0x2c: {  	[sflag:s11] =	ssyncadd.s32 @!p0 $0xFFFFE000;
	s11 =	simm.s32 @!p0 $0x2;
	(pc) =	sbr.rel @p1 .LBB2_1-.Ltmp1, $4  }
0x2d: {  	[hbm4b:s8+s9] =	stream.linear.scatter @!p0 [tilespmem:s10], [sflag:$0x2], $0x2000, $0x38;
	[tilespmem:$0x2080] =	vst v63  }
0x2e: {  	_ =	swait.ge @!p0 [sflag:s11], $0x2000  }
0x2f: {  	[sflag:s11] =	ssyncset.done @!p0 $0x0  }
0x30: {  	[sflag:s11] =	ssyncadd.s32 @!p0 $0xFFFFE000  }
0x31: {  	_ =	sfence.sel $0x180000  }
0x32: {  	[bflag:$0x0] =	sbarrier.arrive $0xFFFF  }
0x33: {  	p0 =	sne.s32 s2, $0x0;
	_ =	strace $0x90000047  }
0x34: {  	s0 =	sadd.s32 @!p0 $0x100000, s0;
	[bflag:$0x2] =	sbarrier.arrive $0xFFFF  }
0x35: {  	[sflag:s0] =	ssyncadd.tile.s32 @!p0 $0x1;
	_ =	shalt  }
.Lfunc_end2:
_tile_overlayer_lowered:
.L_overlay_start_2:
0x36: {  	(tag) =	ssettag $0x2  }
0x37: {  	s0 =	rddreg [dreg:$0x0];
	s2 =	stileid.u32  }
0x38: {  	s1 =	rddreg [dreg:$0x1];
	p0 =	sne.s32 s2, $0x0  }
0x39: {  	s3 =	rddreg [dreg:$0x2];
	[bflag:$0x3] =	sbarrier.arrive $0xFFFF;
	s2 =	simm.s32 @!p0 $0x1C02  }
0x3a: {  	[timem:s3], [sflag:s2] =	dma.local @!p0 [hbm:s0], s1  }
0x3b: {  	s0 =	simm.s32 @!p0 $0x2  }
0x3c: {  	_ =	swait.ge @!p0 [sflag:s0], s1  }
0x3d: {  	s1 =	ssub.s32 @!p0 $0x0, s1;
	[sflag:s0] =	ssyncset.done @!p0 $0x0  }
0x3e: {  	[sflag:s0] =	ssyncadd.s32 @!p0 s1  }
0x3f: {  	[bflag:$0x3] =	sbarrier.arrive $0xFFFF  }
0x40: {  	_ =	shalt  }

// kernel: kernel.19.cloned.1.call-start
scs
__scs_entry_jumppad:
0x0: {  	(pc) =	sbr.rel $0x88, $3  }
0x1: {  	(tag) =	ssettag $0x0;
	lr =	simm.s32 $0x1  }
0x2: {  	[smem:$0x3F87] =	sst lr;
	_ =	strace $0xD0000000  }
0x3: {  	_ = 	snop  }
0x4: {  	_ = 	snop  }
0x5: {  	_ = 	snop  }
0x6: {  	_ = 	snop  }
0x7: {  	_ = 	snop  }
__scs_overlays_trampoline_lowered:
0x8: {  	[smem:$0x3F96] =	sst s0  }
0x9: {  	[smem:$0x3F97] =	sst s1  }
0xa: {  	[smem:$0x3F98] =	sst s2  }
0xb: {  	[smem:$0x3F99] =	sst s3  }
0xc: {  	[smem:$0x3F9A] =	sst s4  }
0xd: {  	[smem:$0x3F9B] =	sst s5  }
0xe: {  	[smem:$0x3F9C] =	sst s6  }
0xf: {  	[smem:$0x3F9D] =	sst s7  }
0x10: {  	[smem:$0x3F9E] =	sst s8  }
0x11: {  	[smem:$0x3F9F] =	sst s9;
	s0 =	simm.s32 @!p0 $0x0  }
0x12: {  	s1 =	sld [smem:$0x3F85];
	s0 =	simm.s32 @p0 $0x1  }
0x13: {  	[smem:$0x3FA0] =	sst s0;
	s0 =	simm.s32 @!p1 $0x0  }
0x14: {  	s2 =	sld [smem:$0x3F84];
	s0 =	simm.s32 @p1 $0x1  }
0x15: {  	[smem:$0x3FA1] =	sst s0;
	s0 =	simm.s32 @!p2 $0x0  }
0x16: {  	s3 =	sld [smem:$0x3FDB];
	s0 =	simm.s32 @p2 $0x1  }
0x17: {  	s4 =	simm.s32 $0x1BF5;
	[smem:$0x3FA3] =	sst s0  }
0x18: {  	s0 =	sld [smem:$0x3F86];
	_ =	swait.ge [sflag:s4], $0x0  }
0x19: {  	s7 =	sld [smem:$0x3F87]  }
0x1a: {  	s8 =	sadd.s32 $0xFFFFE003, lr  }
0x1b: {  	s9 =	sadd.s32 $0xFFFFFEF7, lr;
	s5 =	simm.s32 $0xFFFFFFFF;
	p2 =	slt.u32 s8, $0xFFFFF086  }
0x1c: {  	p1 =	slt.u32 s9, $0xF7A;
	s5 =	simm.s32 @!p2 $0x0  }
0x1d: {  	s5 =	simm.s32 @p1 $0x1;
	p0 =	seq.s32 s7, s2  }
0x1e: {  	s7 =	smul.u32 @!p0 $0xF7A, s2;
	p2 =	seq.s32 @!p0 s5, $0x0  }
0x1f: {  	s9 =	smul.u32 $0xF7A, s1;
	s8 =	simm.s32 @!p0 $0x1BF5;
	p2 =	por !p2, p0  }
0x20: {  	[sflag:s8] =	ssyncset.s32 @!p0 $0xFFFFF086;
	s6 =	sadd.s32 @!p0 s3, s7;
	s7 =	simm.s32 @!p0 $0x108  }
0x21: {  	s3 =	sadd.s32 s3, s9;
	s6 =	sadd.s32 @!p0 $0x88, s6;
	s7 =	simm.s32 @p2 $0x1082  }
0x22: {  	[simem:s7], [sflag:s8] =	dma.local @!p0 [hbm:s6], $0xF7A  }
0x23: {  	s9 =	sor.u32 $0xD0000000, s2;
	s6 =	simm.s32 $0x108;
	_ =	swait.ge @!p0 [sflag:s8], $0x0  }
0x24: {  	s3 =	sadd.s32 $0x88, s3;
	s6 =	simm.s32 @!p1 $0x1082;
	[sflag:s4] =	ssyncset.s32 $0xFFFFF086  }
0x25: {  	[simem:s6], [sflag:s4] =	dma.local [hbm:s3], $0xF7A  }
0x26: {  	[smem:$0x3F87] =	sst s1;
	(tag) =	ssettag s2;
	_ =	strace s9  }
0x27: {  	s1 =	sld [smem:$0x3F97]  }
0x28: {  	s2 =	sld [smem:$0x3F98]  }
0x29: {  	s4 =	sld [smem:$0x3F9A]  }
0x2a: {  	p0 =	seq.s32 s5, $0x0;
	s5 =	sld [smem:$0x3F9B]  }
0x2b: {  	s6 =	sld [smem:$0x3F9C]  }
0x2c: {  	s7 =	sld [smem:$0x3F9D]  }
0x2d: {  	s3 =	simm.s32 $0x108;
	s8 =	sld [smem:$0x3F9E]  }
0x2e: {  	s3 =	simm.s32 @!p0 $0x1082;
	s9 =	sld [smem:$0x3F9F]  }
0x2f: {  	lr =	sadd.s32 s0, s3;
	s0 =	sld [smem:$0x3F96]  }
0x30: {  	s3 =	sld [smem:$0x3F99]  }
0x31: {  	[smem:$0x3FA2] =	sst s10  }
0x32: {  	s10 =	sld [smem:$0x3FA0];
	_ =	sdelay $0x3  }
0x33: {  	p0 =	seq.s32 s10, $0x1;
	s10 =	sld [smem:$0x3FA2];
	_ =	sdelay $0x3  }
0x34: {  	[smem:$0x3FA2] =	sst s10  }
0x35: {  	s10 =	sld [smem:$0x3FA1];
	_ =	sdelay $0x3  }
0x36: {  	p1 =	seq.s32 s10, $0x1;
	s10 =	sld [smem:$0x3FA2];
	_ =	sdelay $0x3  }
0x37: {  	[smem:$0x3FA2] =	sst s10  }
0x38: {  	s10 =	sld [smem:$0x3FA3]  }
0x39: {  	_ = 	snop;
	(pc) =	sbr.ind lr, $3  }
0x3a: {  	_ = 	snop  }
0x3b: {  	_ = 	snop  }
0x3c: {  	p2 =	seq.s32 s10, $0x1;
	s10 =	sld [smem:$0x3FA2]  }
0x3d: {  	_ =	shalt  }
0x3e: {  	_ =	shalt  }
0x3f: {  	_ =	shalt  }
0x40: {  	_ =	shalt  }
0x41: {  	_ =	shalt  }
0x42: {  	_ =	shalt  }
0x43: {  	_ =	shalt  }
0x44: {  	_ =	shalt  }
0x45: {  	_ =	shalt  }
0x46: {  	_ =	shalt  }
0x47: {  	_ =	shalt  }
0x48: {  	_ =	shalt  }
0x49: {  	_ =	shalt  }
0x4a: {  	_ =	shalt  }
0x4b: {  	_ =	shalt  }
0x4c: {  	_ =	shalt  }
0x4d: {  	_ =	shalt  }
0x4e: {  	_ =	shalt  }
0x4f: {  	_ =	shalt  }
0x50: {  	_ =	shalt  }
0x51: {  	_ =	shalt  }
0x52: {  	_ =	shalt  }
0x53: {  	_ =	shalt  }
0x54: {  	_ =	shalt  }
0x55: {  	_ =	shalt  }
0x56: {  	_ =	shalt  }
0x57: {  	_ =	shalt  }
0x58: {  	_ =	shalt  }
0x59: {  	_ =	shalt  }
0x5a: {  	_ =	shalt  }
0x5b: {  	_ =	shalt  }
0x5c: {  	_ =	shalt  }
0x5d: {  	_ =	shalt  }
0x5e: {  	_ =	shalt  }
0x5f: {  	_ =	shalt  }
0x60: {  	_ =	shalt  }
0x61: {  	_ =	shalt  }
0x62: {  	_ =	shalt  }
0x63: {  	_ =	shalt  }
0x64: {  	_ =	shalt  }
0x65: {  	_ =	shalt  }
0x66: {  	_ =	shalt  }
0x67: {  	_ =	shalt  }
0x68: {  	_ =	shalt  }
0x69: {  	_ =	shalt  }
0x6a: {  	_ =	shalt  }
0x6b: {  	_ =	shalt  }
0x6c: {  	_ =	shalt  }
0x6d: {  	_ =	shalt  }
0x6e: {  	_ =	shalt  }
0x6f: {  	_ =	shalt  }
0x70: {  	_ =	shalt  }
0x71: {  	_ =	shalt  }
0x72: {  	_ =	shalt  }
0x73: {  	_ =	shalt  }
0x74: {  	_ =	shalt  }
0x75: {  	_ =	shalt  }
0x76: {  	_ =	shalt  }
0x77: {  	_ =	shalt  }
0x78: {  	_ =	shalt  }
0x79: {  	_ =	shalt  }
0x7a: {  	_ =	shalt  }
0x7b: {  	_ =	shalt  }
0x7c: {  	_ =	shalt  }
0x7d: {  	_ =	shalt  }
0x7e: {  	_ =	shalt  }
0x7f: {  	_ =	shalt  }
0x80: {  	_ =	shalt  }
0x81: {  	_ =	shalt  }
0x82: {  	_ =	shalt  }
0x83: {  	_ =	shalt  }
0x84: {  	_ =	shalt  }
0x85: {  	_ =	shalt  }
0x86: {  	_ =	shalt  }
0x87: {  	_ =	shalt  }
.Lfunc_end0:
.L_simem_size_0:
called_computation.1_lowered:
.L_overlay_start_0:
0x88: {  	s2 =	sld [smem:$0x3FD9]  }
0x89: {  	s3 =	sld [smem:$0x3FFE];
	_ =	sdelay $0x1  }
0x8a: {  	s1 =	srdreg.scid  }
0x8b: {  	s0 =	sand.u32 $0x1, s1  }
0x8c: {  	s16 =	sshll.u32 s0, $0xA;
	s2 =	sadd.s32 s3, s2  }
0x8d: {  	s2 =	sadd.s32 s2, s16  }
0x8e: {  	[smem:$0x3FAE] =	sst s2  }
0x8f: {  	_ = 	snop  }
0x90: {  	(tm) =	ssettm $0x1  }
0x91: {  	s17 =	sld [smem:$0x3FFB];
	_ =	sdelay $0x3  }
0x92: {  	_ =	strace s17  }
0x93: {  	s2 =	sld [smem:$0x3FFC];
	_ =	sdelay $0x3  }
0x94: {  	_ =	strace s2  }
0x95: {  	s2 =	sld [smem:$0x3FFD];
	_ =	sdelay $0x3  }
0x96: {  	_ =	strace s2  }
0x97: {  	_ =	strace $0x8FFFFFFF  }
0x98: {  	s18 =	sld [smem:$0x3FDB];
	_ =	sdelay $0x1  }
0x99: {  	s19 =	simm.s32 $_scs_section_size  }
0x9a: {  	s4 =	simm.s32 $_size__tile_overlayer_lowered;
	s5 =	simm.s32 $_tile_overlayer_lowered  }
0x9b: {  	s22 =	simm.s32 $0x1BFF;
	s21 =	sshll.u32 s5, $0x1;
	s2 =	sadd.s32 s19, s18  }
0x9c: {  	s6 =	simm.s32 $0x0;
	s20 =	sshll.u32 s4, $0x1;
	s4 =	sadd.s32 s21, s2  }
0x9d: {  	[timem:s6], [sflag:s22] =	dma.local [hbm:s4], s20  }
0x9e: {  	_ =	swait.ge [sflag:s22], s20  }
0x9f: {  	s3 =	ssub.s32 $0x0, s20;
	[sflag:s22] =	ssyncset.done $0x0  }
0xa0: {  	[sflag:s22] =	ssyncadd.s32 s3;
	_ =	sdelay $0x1  }
0xa1: {  	s23 =	simm.s32 $0x1B8B  }
0xa2: {  	_ =	swait.ge [sflag:s23], $0x1  }
0xa3: {  	[sflag:s23] =	ssyncset.done $0x0  }
0xa4: {  	s25 =	simm.s32 $0x1B8E;
	s24 =	sld [smem:$0x3FFE];
	[sflag:s23] =	ssyncadd.s32 $0xFFFFFFFF  }
0xa5: {  	s26 =	simm.s32 $execute0_lowered;
	[smem:$0x3FD2] =	sst s25  }
0xa6: {  	s4 =	sshll.u32 s26, $0x1;
	_ =	strace $0x80000049;
	[dreg:$0x1] =	wrdreg $0xFFFFFFFF  }
0xa7: {  	s28 =	simm.s32 $_size_execute0_lowered;
	s2 =	sadd.s32 s2, s4;
	[dreg:$0x0] =	wrdreg $0x0  }
0xa8: {  	s4 =	sshll.u32 s28, $0x1;
	[dreg:$0x2] =	wrdreg s2  }
0xa9: {  	[dreg:$0x3] =	wrdreg s4  }
0xaa: {  	[dreg:$0x4] =	wrdreg $0xC0  }
0xab: {  	_ =	task [dreg:s6], $0x5FFFF  }
0xac: {  	[dreg:$0x1] =	wrdreg $0xFFFFFFFF  }
0xad: {  	[dreg:$0x0] =	wrdreg $0x60  }
0xae: {  	[dreg:$0x2] =	wrdreg s24  }
0xaf: {  	[dreg:$0x3] =	wrdreg $0x9  }
0xb0: {  	_ =	task.clear_ibuf [dreg:s6], $0x4FFFF;
	_ =	strace $0x90000049  }
0xb1: {  	s29 =	simm.s32 $0x9;
	_ =	strace $0x8000004B  }
0xb2: {  	_ =	swait.ge [sflag:s29], $0x1  }
0xb3: {  	[sflag:s29] =	ssyncadd.s32 $0xFFFFFFFF  }
0xb4: {  	_ =	strace $0x9000004B  }
0xb5: {  	_ =	sfence  }
0xb6: {  	s30 =	sld [smem:$0x0];
	_ =	sdelay $0x2  }
0xb7: {  	s31 =	sshll.u32 s1, $0xD;
	s1 =	sshrl.u32 s1, $0x2  }
0xb8: {  	s3 =	sand.u32 $0x4000, s31;
	s1 =	sadd.s32 s1, s30  }
0xb9: {  	s0 =	sor.u32 s3, s0;
	s1 =	sshll.u32 s1, $0x11  }
0xba: {  	s0 =	sor.u32 s1, s0  }
0xbb: {  	s0 =	sadd.s32 $0x8F2B, s0  }
0xbc: {  	[sflag:s0] =	ssyncadd.remote.s32 $0x1  }
0xbd: {  	_ =	sfence.sel $0xFFFF  }
0xbe: {  	[dreg:$0x0] =	wrdreg $0xFFFFFFFF;
	(pc) =	sbr.abs _section_cstart, $3  }
0xbf: {  	[dreg:$0x1] =	wrdreg $0xFFFFFFFF  }
0xc0: {  	_ =	task.clear_ibuf [dreg:s6], $0x2FFFF;
	_ =	strace $0x9FFFFFFF  }
0xc1: {  	(tm) =	ssettm $0x7FFFFFFF  }
tec
execute0_lowered:
.L_overlay_start_1:
0x0: {  	(tag) =	ssettag $0x1  }
0x1: {  	s4 =	rddreg [dreg:$0x0]  }
0x2: {  	s0 =	rddreg [dreg:$0x1];
	s1 =	simm.s32 $0x0;
	s5 =	srdreg.scid  }
0x3: {  	s2 =	stileid.u32;
	[smem:$0x7FF] =	sst s1  }
0x4: {  	s3 =	sadd.s32 $0x6400, s4;
	s5 =	sand.u32 $0x1, s5;
	s6 =	sshll.u32 s2, $0x5  }
0x5: {  	s7 =	sshll.u32 s2, $0xB;
	_ =	strace $0x8000004A;
	s8 =	ssub.s32 $0x2, s5  }
0x6: {  	s6 =	sadd.s32 s6, s4;
	s7 =	sadd.s32 s7, s4;
	s9 =	sshll.u32 s5, $0xA  }
0x7: {  	s5 =	sshll.u32 s5, $0x4;
	s4 =	sshll.u32 s2, $0x1;
	s30 =	sshrl.u32 s8, $0x1  }
0x8: {  	s7 =	sadd.s32 s9, s7;
	s31 =	sadd.s32 s5, s6;
	s8 =	ssub.s32 s8, s30  }
0x9: {  	s6 =	sadd.s32 $0x13DC800, s7;
	s7 =	sadd.s32 $0x68000, s31;
	s5 =	smax.u32 s8, $0x1  }
.LBB2_1:
0xa: {  	s8 =	sadd.s32 $0x0, s4  }
0xb: {  	p0 =	sgt.u32 s8, $0x1869  }
0xc: {  	s8 =	simm.s32 @!p0 $0x0;
	s9 =	simm.s32 @!p0 $0x3  }
0xd: {  	[tilespmem:s8], [sflag:$0x3] =	stream.linear.gather @!p0 [hbm4b:s7+s8], $0x80, $0x38;
	[tilespmem:$0x2080] =	vst v63  }
0xe: {  	_ =	swait.ge @!p0 [sflag:s9], $0x80  }
0xf: {  	[sflag:s9] =	ssyncset.done @!p0 $0x0;
	p0 =	por p0, p0  }
0x10: {  	[sflag:s9] =	ssyncadd.s32 @!p0 $0xFFFFFF80;
	s10 =	simm.s32 @!p0 $0x80;
	s11 =	simm.s32 @!p0 $0x1  }
0x11: {  	[tilespmem:s10], [sflag:$0x1] =	stream.indirect.gather @!p0 [hbm4b:s3+s10], $0x40, s8, s10, $0xb8;
	[tilespmem:$0x2080] =	vst v63  }
0x12: {  	_ =	swait.ge @!p0 [sflag:s11], $0x2000  }
0x13: {  	[sflag:s11] =	ssyncset.done @!p0 $0x0  }
0x14: {  	s31 =	sadd.s32 $0x20, s4;
	[sflag:s11] =	ssyncadd.s32 @!p0 $0xFFFFE000;
	s11 =	simm.s32 @!p0 $0x2  }
0x15: {  	[hbm4b:s6+s8] =	stream.linear.scatter @!p0 [tilespmem:s10], [sflag:$0x2], $0x2000, $0x38;
	[tilespmem:$0x2080] =	vst v63  }
0x16: {  	p1 =	sgt.u32 s31, $0x1869;
	s9 =	simm.s32 $0x40;
	_ =	swait.ge @!p0 [sflag:s11], $0x2000  }
0x17: {  	s10 =	sadd.s32 $0x200, s7;
	s8 =	sadd.s32 $0x8000, s6;
	[sflag:s11] =	ssyncset.done @!p0 $0x0  }
.LBB2_2:
0x18: {  	s12 =	simm.s32 @!p1 $0x0;
	s13 =	simm.s32 @!p1 $0x3;
	[sflag:s11] =	ssyncadd.s32 @!p0 $0xFFFFE000  }
0x19: {  	[tilespmem:s12], [sflag:$0x3] =	stream.linear.gather @!p1 [hbm4b:s10+s12], $0x80, $0x38;
	[tilespmem:$0x2080] =	vst v63  }
0x1a: {  	s14 =	smov.u32 s9;
	s9 =	sadd.s32 $0x20, s9;
	_ =	swait.ge @!p1 [sflag:s13], $0x80  }
0x1b: {  	p0 =	por p1, p1;
	p2 =	sne.s32 s9, $0x1880;
	[sflag:s13] =	ssyncset.done @!p1 $0x0  }
0x1c: {  	s11 =	simm.s32 @!p0 $0x1;
	[sflag:s13] =	ssyncadd.s32 @!p0 $0xFFFFFF80;
	s13 =	simm.s32 @!p0 $0x80  }
0x1d: {  	[tilespmem:s13], [sflag:$0x1] =	stream.indirect.gather @!p0 [hbm4b:s3+s13], $0x40, s12, s13, $0xb8;
	[tilespmem:$0x2080] =	vst v63  }
0x1e: {  	_ =	swait.ge @!p0 [sflag:s11], $0x2000  }
.Ltmp0:
0x1f: {  	[sflag:s11] =	ssyncset.done @!p0 $0x0;
	(pc) =	sbr.rel @p2 .LBB2_2-.Ltmp0, $4  }
0x20: {  	[sflag:s11] =	ssyncadd.s32 @!p0 $0xFFFFE000;
	s11 =	simm.s32 @!p0 $0x2  }
0x21: {  	[hbm4b:s8+s12] =	stream.linear.scatter @!p0 [tilespmem:s13], [sflag:$0x2], $0x2000, $0x38;
	[tilespmem:$0x2080] =	vst v63  }
0x22: {  	s10 =	sadd.s32 $0x200, s10;
	s12 =	sadd.s32 s14, s4;
	_ =	swait.ge @!p0 [sflag:s11], $0x2000  }
0x23: {  	s8 =	sadd.s32 $0x8000, s8;
	p1 =	sgt.u32 s12, $0x1869;
	[sflag:s11] =	ssyncset.done @!p0 $0x0  }
0x24: {  	s9 =	simm.s32 @!p1 $0x0;
	s12 =	simm.s32 @!p1 $0x3;
	[sflag:s11] =	ssyncadd.s32 @!p0 $0xFFFFE000  }
0x25: {  	[tilespmem:s9], [sflag:$0x3] =	stream.linear.gather @!p1 [hbm4b:s10+s9], $0x80, $0x38;
	[tilespmem:$0x2080] =	vst v63  }
0x26: {  	_ =	swait.ge @!p1 [sflag:s12], $0x80  }
0x27: {  	p0 =	por p1, p1;
	[sflag:s12] =	ssyncset.done @!p1 $0x0  }
0x28: {  	s10 =	simm.s32 @!p0 $0x80;
	s11 =	simm.s32 @!p0 $0x1;
	[sflag:s12] =	ssyncadd.s32 @!p0 $0xFFFFFF80  }
0x29: {  	[tilespmem:s10], [sflag:$0x1] =	stream.indirect.gather @!p0 [hbm4b:s3+s10], $0x40, s9, s10, $0xb8;
	[tilespmem:$0x2080] =	vst v63  }
0x2a: {  	s1 =	sadd.s32 $0x1, s1;
	_ =	swait.ge @!p0 [sflag:s11], $0x2000  }
0x2b: {  	p1 =	sne.s32 s1, s5;
	[sflag:s11] =	ssyncset.done @!p0 $0x0  }
.Ltmp1:
0x2c: {  	[sflag:s11] =	ssyncadd.s32 @!p0 $0xFFFFE000;
	s11 =	simm.s32 @!p0 $0x2;
	(pc) =	sbr.rel @p1 .LBB2_1-.Ltmp1, $4  }
0x2d: {  	[hbm4b:s8+s9] =	stream.linear.scatter @!p0 [tilespmem:s10], [sflag:$0x2], $0x2000, $0x38;
	[tilespmem:$0x2080] =	vst v63  }
0x2e: {  	_ =	swait.ge @!p0 [sflag:s11], $0x2000  }
0x2f: {  	[sflag:s11] =	ssyncset.done @!p0 $0x0  }
0x30: {  	[sflag:s11] =	ssyncadd.s32 @!p0 $0xFFFFE000  }
0x31: {  	_ =	sfence.sel $0x180000  }
0x32: {  	[bflag:$0x0] =	sbarrier.arrive $0xFFFF  }
0x33: {  	p0 =	sne.s32 s2, $0x0;
	_ =	strace $0x9000004A  }
0x34: {  	s0 =	sadd.s32 @!p0 $0x100000, s0;
	[bflag:$0x2] =	sbarrier.arrive $0xFFFF  }
0x35: {  	[sflag:s0] =	ssyncadd.tile.s32 @!p0 $0x1;
	_ =	shalt  }
.Lfunc_end2:
_tile_overlayer_lowered:
.L_overlay_start_2:
0x36: {  	(tag) =	ssettag $0x2  }
0x37: {  	s0 =	rddreg [dreg:$0x0];
	s2 =	stileid.u32  }
0x38: {  	s1 =	rddreg [dreg:$0x1];
	p0 =	sne.s32 s2, $0x0  }
0x39: {  	s3 =	rddreg [dreg:$0x2];
	[bflag:$0x3] =	sbarrier.arrive $0xFFFF;
	s2 =	simm.s32 @!p0 $0x1C02  }
0x3a: {  	[timem:s3], [sflag:s2] =	dma.local @!p0 [hbm:s0], s1  }
0x3b: {  	s0 =	simm.s32 @!p0 $0x2  }
0x3c: {  	_ =	swait.ge @!p0 [sflag:s0], s1  }
0x3d: {  	s1 =	ssub.s32 @!p0 $0x0, s1;
	[sflag:s0] =	ssyncset.done @!p0 $0x0  }
0x3e: {  	[sflag:s0] =	ssyncadd.s32 @!p0 s1  }
0x3f: {  	[bflag:$0x3] =	sbarrier.arrive $0xFFFF  }
0x40: {  	_ =	shalt  }

// kernel: kernel.22.cloned.1.call-start
scs
__scs_entry_jumppad:
0x0: {  	(pc) =	sbr.rel $0x88, $3  }
0x1: {  	(tag) =	ssettag $0x0;
	lr =	simm.s32 $0x1  }
0x2: {  	[smem:$0x3F87] =	sst lr;
	_ =	strace $0xD0000000  }
0x3: {  	_ = 	snop  }
0x4: {  	_ = 	snop  }
0x5: {  	_ = 	snop  }
0x6: {  	_ = 	snop  }
0x7: {  	_ = 	snop  }
__scs_overlays_trampoline_lowered:
0x8: {  	[smem:$0x3F96] =	sst s0  }
0x9: {  	[smem:$0x3F97] =	sst s1  }
0xa: {  	[smem:$0x3F98] =	sst s2  }
0xb: {  	[smem:$0x3F99] =	sst s3  }
0xc: {  	[smem:$0x3F9A] =	sst s4  }
0xd: {  	[smem:$0x3F9B] =	sst s5  }
0xe: {  	[smem:$0x3F9C] =	sst s6  }
0xf: {  	[smem:$0x3F9D] =	sst s7  }
0x10: {  	[smem:$0x3F9E] =	sst s8  }
0x11: {  	[smem:$0x3F9F] =	sst s9;
	s0 =	simm.s32 @!p0 $0x0  }
0x12: {  	s1 =	sld [smem:$0x3F85];
	s0 =	simm.s32 @p0 $0x1  }
0x13: {  	[smem:$0x3FA0] =	sst s0;
	s0 =	simm.s32 @!p1 $0x0  }
0x14: {  	s2 =	sld [smem:$0x3F84];
	s0 =	simm.s32 @p1 $0x1  }
0x15: {  	[smem:$0x3FA1] =	sst s0;
	s0 =	simm.s32 @!p2 $0x0  }
0x16: {  	s3 =	sld [smem:$0x3FDB];
	s0 =	simm.s32 @p2 $0x1  }
0x17: {  	s4 =	simm.s32 $0x1BF5;
	[smem:$0x3FA3] =	sst s0  }
0x18: {  	s0 =	sld [smem:$0x3F86];
	_ =	swait.ge [sflag:s4], $0x0  }
0x19: {  	s7 =	sld [smem:$0x3F87]  }
0x1a: {  	s8 =	sadd.s32 $0xFFFFE003, lr  }
0x1b: {  	s9 =	sadd.s32 $0xFFFFFEF7, lr;
	s5 =	simm.s32 $0xFFFFFFFF;
	p2 =	slt.u32 s8, $0xFFFFF086  }
0x1c: {  	p1 =	slt.u32 s9, $0xF7A;
	s5 =	simm.s32 @!p2 $0x0  }
0x1d: {  	s5 =	simm.s32 @p1 $0x1;
	p0 =	seq.s32 s7, s2  }
0x1e: {  	s7 =	smul.u32 @!p0 $0xF7A, s2;
	p2 =	seq.s32 @!p0 s5, $0x0  }
0x1f: {  	s9 =	smul.u32 $0xF7A, s1;
	s8 =	simm.s32 @!p0 $0x1BF5;
	p2 =	por !p2, p0  }
0x20: {  	[sflag:s8] =	ssyncset.s32 @!p0 $0xFFFFF086;
	s6 =	sadd.s32 @!p0 s3, s7;
	s7 =	simm.s32 @!p0 $0x108  }
0x21: {  	s3 =	sadd.s32 s3, s9;
	s6 =	sadd.s32 @!p0 $0x88, s6;
	s7 =	simm.s32 @p2 $0x1082  }
0x22: {  	[simem:s7], [sflag:s8] =	dma.local @!p0 [hbm:s6], $0xF7A  }
0x23: {  	s9 =	sor.u32 $0xD0000000, s2;
	s6 =	simm.s32 $0x108;
	_ =	swait.ge @!p0 [sflag:s8], $0x0  }
0x24: {  	s3 =	sadd.s32 $0x88, s3;
	s6 =	simm.s32 @!p1 $0x1082;
	[sflag:s4] =	ssyncset.s32 $0xFFFFF086  }
0x25: {  	[simem:s6], [sflag:s4] =	dma.local [hbm:s3], $0xF7A  }
0x26: {  	[smem:$0x3F87] =	sst s1;
	(tag) =	ssettag s2;
	_ =	strace s9  }
0x27: {  	s1 =	sld [smem:$0x3F97]  }
0x28: {  	s2 =	sld [smem:$0x3F98]  }
0x29: {  	s4 =	sld [smem:$0x3F9A]  }
0x2a: {  	p0 =	seq.s32 s5, $0x0;
	s5 =	sld [smem:$0x3F9B]  }
0x2b: {  	s6 =	sld [smem:$0x3F9C]  }
0x2c: {  	s7 =	sld [smem:$0x3F9D]  }
0x2d: {  	s3 =	simm.s32 $0x108;
	s8 =	sld [smem:$0x3F9E]  }
0x2e: {  	s3 =	simm.s32 @!p0 $0x1082;
	s9 =	sld [smem:$0x3F9F]  }
0x2f: {  	lr =	sadd.s32 s0, s3;
	s0 =	sld [smem:$0x3F96]  }
0x30: {  	s3 =	sld [smem:$0x3F99]  }
0x31: {  	[smem:$0x3FA2] =	sst s10  }
0x32: {  	s10 =	sld [smem:$0x3FA0];
	_ =	sdelay $0x3  }
0x33: {  	p0 =	seq.s32 s10, $0x1;
	s10 =	sld [smem:$0x3FA2];
	_ =	sdelay $0x3  }
0x34: {  	[smem:$0x3FA2] =	sst s10  }
0x35: {  	s10 =	sld [smem:$0x3FA1];
	_ =	sdelay $0x3  }
0x36: {  	p1 =	seq.s32 s10, $0x1;
	s10 =	sld [smem:$0x3FA2];
	_ =	sdelay $0x3  }
0x37: {  	[smem:$0x3FA2] =	sst s10  }
0x38: {  	s10 =	sld [smem:$0x3FA3]  }
0x39: {  	_ = 	snop;
	(pc) =	sbr.ind lr, $3  }
0x3a: {  	_ = 	snop  }
0x3b: {  	_ = 	snop  }
0x3c: {  	p2 =	seq.s32 s10, $0x1;
	s10 =	sld [smem:$0x3FA2]  }
0x3d: {  	_ =	shalt  }
0x3e: {  	_ =	shalt  }
0x3f: {  	_ =	shalt  }
0x40: {  	_ =	shalt  }
0x41: {  	_ =	shalt  }
0x42: {  	_ =	shalt  }
0x43: {  	_ =	shalt  }
0x44: {  	_ =	shalt  }
0x45: {  	_ =	shalt  }
0x46: {  	_ =	shalt  }
0x47: {  	_ =	shalt  }
0x48: {  	_ =	shalt  }
0x49: {  	_ =	shalt  }
0x4a: {  	_ =	shalt  }
0x4b: {  	_ =	shalt  }
0x4c: {  	_ =	shalt  }
0x4d: {  	_ =	shalt  }
0x4e: {  	_ =	shalt  }
0x4f: {  	_ =	shalt  }
0x50: {  	_ =	shalt  }
0x51: {  	_ =	shalt  }
0x52: {  	_ =	shalt  }
0x53: {  	_ =	shalt  }
0x54: {  	_ =	shalt  }
0x55: {  	_ =	shalt  }
0x56: {  	_ =	shalt  }
0x57: {  	_ =	shalt  }
0x58: {  	_ =	shalt  }
0x59: {  	_ =	shalt  }
0x5a: {  	_ =	shalt  }
0x5b: {  	_ =	shalt  }
0x5c: {  	_ =	shalt  }
0x5d: {  	_ =	shalt  }
0x5e: {  	_ =	shalt  }
0x5f: {  	_ =	shalt  }
0x60: {  	_ =	shalt  }
0x61: {  	_ =	shalt  }
0x62: {  	_ =	shalt  }
0x63: {  	_ =	shalt  }
0x64: {  	_ =	shalt  }
0x65: {  	_ =	shalt  }
0x66: {  	_ =	shalt  }
0x67: {  	_ =	shalt  }
0x68: {  	_ =	shalt  }
0x69: {  	_ =	shalt  }
0x6a: {  	_ =	shalt  }
0x6b: {  	_ =	shalt  }
0x6c: {  	_ =	shalt  }
0x6d: {  	_ =	shalt  }
0x6e: {  	_ =	shalt  }
0x6f: {  	_ =	shalt  }
0x70: {  	_ =	shalt  }
0x71: {  	_ =	shalt  }
0x72: {  	_ =	shalt  }
0x73: {  	_ =	shalt  }
0x74: {  	_ =	shalt  }
0x75: {  	_ =	shalt  }
0x76: {  	_ =	shalt  }
0x77: {  	_ =	shalt  }
0x78: {  	_ =	shalt  }
0x79: {  	_ =	shalt  }
0x7a: {  	_ =	shalt  }
0x7b: {  	_ =	shalt  }
0x7c: {  	_ =	shalt  }
0x7d: {  	_ =	shalt  }
0x7e: {  	_ =	shalt  }
0x7f: {  	_ =	shalt  }
0x80: {  	_ =	shalt  }
0x81: {  	_ =	shalt  }
0x82: {  	_ =	shalt  }
0x83: {  	_ =	shalt  }
0x84: {  	_ =	shalt  }
0x85: {  	_ =	shalt  }
0x86: {  	_ =	shalt  }
0x87: {  	_ =	shalt  }
.Lfunc_end0:
.L_simem_size_0:
called_computation.2_lowered:
.L_overlay_start_0:
0x88: {  	s2 =	sld [smem:$0x3FD9]  }
0x89: {  	s3 =	sld [smem:$0x3FFE];
	_ =	sdelay $0x1  }
0x8a: {  	s1 =	srdreg.scid  }
0x8b: {  	s0 =	sand.u32 $0x1, s1  }
0x8c: {  	s16 =	sshll.u32 s0, $0xA;
	s2 =	sadd.s32 s3, s2  }
0x8d: {  	s2 =	sadd.s32 s2, s16  }
0x8e: {  	[smem:$0x3FAE] =	sst s2  }
0x8f: {  	_ = 	snop  }
0x90: {  	(tm) =	ssettm $0x1  }
0x91: {  	s17 =	sld [smem:$0x3FFB];
	_ =	sdelay $0x3  }
0x92: {  	_ =	strace s17  }
0x93: {  	s2 =	sld [smem:$0x3FFC];
	_ =	sdelay $0x3  }
0x94: {  	_ =	strace s2  }
0x95: {  	s2 =	sld [smem:$0x3FFD];
	_ =	sdelay $0x3  }
0x96: {  	_ =	strace s2  }
0x97: {  	_ =	strace $0x8FFFFFFF  }
0x98: {  	s18 =	sld [smem:$0x3FDB];
	_ =	sdelay $0x1  }
0x99: {  	s19 =	simm.s32 $_scs_section_size  }
0x9a: {  	s4 =	simm.s32 $_size__tile_overlayer_lowered;
	s5 =	simm.s32 $_tile_overlayer_lowered  }
0x9b: {  	s22 =	simm.s32 $0x1BFF;
	s21 =	sshll.u32 s5, $0x1;
	s2 =	sadd.s32 s19, s18  }
0x9c: {  	s6 =	simm.s32 $0x0;
	s20 =	sshll.u32 s4, $0x1;
	s4 =	sadd.s32 s21, s2  }
0x9d: {  	[timem:s6], [sflag:s22] =	dma.local [hbm:s4], s20  }
0x9e: {  	_ =	swait.ge [sflag:s22], s20  }
0x9f: {  	s3 =	ssub.s32 $0x0, s20;
	[sflag:s22] =	ssyncset.done $0x0  }
0xa0: {  	[sflag:s22] =	ssyncadd.s32 s3;
	_ =	sdelay $0x1  }
0xa1: {  	s23 =	simm.s32 $0x1B8B  }
0xa2: {  	_ =	swait.ge [sflag:s23], $0x1  }
0xa3: {  	[sflag:s23] =	ssyncset.done $0x0  }
0xa4: {  	s25 =	simm.s32 $0x1B8E;
	s24 =	sld [smem:$0x3FFE];
	[sflag:s23] =	ssyncadd.s32 $0xFFFFFFFF  }
0xa5: {  	s26 =	simm.s32 $execute0_lowered;
	[smem:$0x3FD2] =	sst s25  }
0xa6: {  	s4 =	sshll.u32 s26, $0x1;
	_ =	strace $0x8000004C;
	[dreg:$0x1] =	wrdreg $0xFFFFFFFF  }
0xa7: {  	s28 =	simm.s32 $_size_execute0_lowered;
	s2 =	sadd.s32 s2, s4;
	[dreg:$0x0] =	wrdreg $0x0  }
0xa8: {  	s4 =	sshll.u32 s28, $0x1;
	[dreg:$0x2] =	wrdreg s2  }
0xa9: {  	[dreg:$0x3] =	wrdreg s4  }
0xaa: {  	[dreg:$0x4] =	wrdreg $0xC0  }
0xab: {  	_ =	task [dreg:s6], $0x5FFFF  }
0xac: {  	[dreg:$0x1] =	wrdreg $0xFFFFFFFF  }
0xad: {  	[dreg:$0x0] =	wrdreg $0x60  }
0xae: {  	[dreg:$0x2] =	wrdreg s24  }
0xaf: {  	[dreg:$0x3] =	wrdreg $0x9  }
0xb0: {  	_ =	task.clear_ibuf [dreg:s6], $0x4FFFF;
	_ =	strace $0x9000004C  }
0xb1: {  	s29 =	simm.s32 $0x9;
	_ =	strace $0x8000004E  }
0xb2: {  	_ =	swait.ge [sflag:s29], $0x1  }
0xb3: {  	[sflag:s29] =	ssyncadd.s32 $0xFFFFFFFF  }
0xb4: {  	_ =	strace $0x9000004E  }
0xb5: {  	_ =	sfence  }
0xb6: {  	s30 =	sld [smem:$0x0];
	_ =	sdelay $0x2  }
0xb7: {  	s31 =	sshll.u32 s1, $0xD;
	s1 =	sshrl.u32 s1, $0x2  }
0xb8: {  	s3 =	sand.u32 $0x4000, s31;
	s1 =	sadd.s32 s1, s30  }
0xb9: {  	s0 =	sor.u32 s3, s0;
	s1 =	sshll.u32 s1, $0x11  }
0xba: {  	s0 =	sor.u32 s1, s0  }
0xbb: {  	s0 =	sadd.s32 $0x8F2B, s0  }
0xbc: {  	[sflag:s0] =	ssyncadd.remote.s32 $0x1  }
0xbd: {  	_ =	sfence.sel $0xFFFF  }
0xbe: {  	[dreg:$0x0] =	wrdreg $0xFFFFFFFF;
	(pc) =	sbr.abs _section_cstart, $3  }
0xbf: {  	[dreg:$0x1] =	wrdreg $0xFFFFFFFF  }
0xc0: {  	_ =	task.clear_ibuf [dreg:s6], $0x2FFFF;
	_ =	strace $0x9FFFFFFF  }
0xc1: {  	(tm) =	ssettm $0x7FFFFFFF  }
tec
execute0_lowered:
.L_overlay_start_1:
0x0: {  	(tag) =	ssettag $0x1  }
0x1: {  	s4 =	rddreg [dreg:$0x0]  }
0x2: {  	s0 =	rddreg [dreg:$0x1];
	s1 =	simm.s32 $0x0;
	s5 =	srdreg.scid  }
0x3: {  	s2 =	stileid.u32;
	[smem:$0x7FF] =	sst s1  }
0x4: {  	s3 =	sadd.s32 $0x6400, s4;
	s5 =	sand.u32 $0x1, s5;
	s6 =	sshll.u32 s2, $0x5  }
0x5: {  	s7 =	sshll.u32 s2, $0xB;
	_ =	strace $0x8000004D;
	s8 =	ssub.s32 $0x2, s5  }
0x6: {  	s6 =	sadd.s32 s6, s4;
	s7 =	sadd.s32 s7, s4;
	s9 =	sshll.u32 s5, $0xA  }
0x7: {  	s5 =	sshll.u32 s5, $0x4;
	s4 =	sshll.u32 s2, $0x1;
	s30 =	sshrl.u32 s8, $0x1  }
0x8: {  	s7 =	sadd.s32 s9, s7;
	s31 =	sadd.s32 s5, s6;
	s8 =	ssub.s32 s8, s30  }
0x9: {  	s6 =	sadd.s32 $0x13DC800, s7;
	s7 =	sadd.s32 $0x68000, s31;
	s5 =	smax.u32 s8, $0x1  }
.LBB2_1:
0xa: {  	s8 =	sadd.s32 $0x0, s4  }
0xb: {  	p0 =	sgt.u32 s8, $0x1869  }
0xc: {  	s8 =	simm.s32 @!p0 $0x0;
	s9 =	simm.s32 @!p0 $0x3  }
0xd: {  	[tilespmem:s8], [sflag:$0x3] =	stream.linear.gather @!p0 [hbm4b:s7+s8], $0x80, $0x38;
	[tilespmem:$0x2080] =	vst v63  }
0xe: {  	_ =	swait.ge @!p0 [sflag:s9], $0x80  }
0xf: {  	[sflag:s9] =	ssyncset.done @!p0 $0x0;
	p0 =	por p0, p0  }
0x10: {  	[sflag:s9] =	ssyncadd.s32 @!p0 $0xFFFFFF80;
	s10 =	simm.s32 @!p0 $0x80;
	s11 =	simm.s32 @!p0 $0x1  }
0x11: {  	[tilespmem:s10], [sflag:$0x1] =	stream.indirect.gather @!p0 [hbm4b:s3+s10], $0x40, s8, s10, $0xb8;
	[tilespmem:$0x2080] =	vst v63  }
0x12: {  	_ =	swait.ge @!p0 [sflag:s11], $0x2000  }
0x13: {  	[sflag:s11] =	ssyncset.done @!p0 $0x0  }
0x14: {  	s31 =	sadd.s32 $0x20, s4;
	[sflag:s11] =	ssyncadd.s32 @!p0 $0xFFFFE000;
	s11 =	simm.s32 @!p0 $0x2  }
0x15: {  	[hbm4b:s6+s8] =	stream.linear.scatter @!p0 [tilespmem:s10], [sflag:$0x2], $0x2000, $0x38;
	[tilespmem:$0x2080] =	vst v63  }
0x16: {  	p1 =	sgt.u32 s31, $0x1869;
	s9 =	simm.s32 $0x40;
	_ =	swait.ge @!p0 [sflag:s11], $0x2000  }
0x17: {  	s10 =	sadd.s32 $0x200, s7;
	s8 =	sadd.s32 $0x8000, s6;
	[sflag:s11] =	ssyncset.done @!p0 $0x0  }
.LBB2_2:
0x18: {  	s12 =	simm.s32 @!p1 $0x0;
	s13 =	simm.s32 @!p1 $0x3;
	[sflag:s11] =	ssyncadd.s32 @!p0 $0xFFFFE000  }
0x19: {  	[tilespmem:s12], [sflag:$0x3] =	stream.linear.gather @!p1 [hbm4b:s10+s12], $0x80, $0x38;
	[tilespmem:$0x2080] =	vst v63  }
0x1a: {  	s14 =	smov.u32 s9;
	s9 =	sadd.s32 $0x20, s9;
	_ =	swait.ge @!p1 [sflag:s13], $0x80  }
0x1b: {  	p0 =	por p1, p1;
	p2 =	sne.s32 s9, $0x1880;
	[sflag:s13] =	ssyncset.done @!p1 $0x0  }
0x1c: {  	s11 =	simm.s32 @!p0 $0x1;
	[sflag:s13] =	ssyncadd.s32 @!p0 $0xFFFFFF80;
	s13 =	simm.s32 @!p0 $0x80  }
0x1d: {  	[tilespmem:s13], [sflag:$0x1] =	stream.indirect.gather @!p0 [hbm4b:s3+s13], $0x40, s12, s13, $0xb8;
	[tilespmem:$0x2080] =	vst v63  }
0x1e: {  	_ =	swait.ge @!p0 [sflag:s11], $0x2000  }
.Ltmp0:
0x1f: {  	[sflag:s11] =	ssyncset.done @!p0 $0x0;
	(pc) =	sbr.rel @p2 .LBB2_2-.Ltmp0, $4  }
0x20: {  	[sflag:s11] =	ssyncadd.s32 @!p0 $0xFFFFE000;
	s11 =	simm.s32 @!p0 $0x2  }
0x21: {  	[hbm4b:s8+s12] =	stream.linear.scatter @!p0 [tilespmem:s13], [sflag:$0x2], $0x2000, $0x38;
	[tilespmem:$0x2080] =	vst v63  }
0x22: {  	s10 =	sadd.s32 $0x200, s10;
	s12 =	sadd.s32 s14, s4;
	_ =	swait.ge @!p0 [sflag:s11], $0x2000  }
0x23: {  	s8 =	sadd.s32 $0x8000, s8;
	p1 =	sgt.u32 s12, $0x1869;
	[sflag:s11] =	ssyncset.done @!p0 $0x0  }
0x24: {  	s9 =	simm.s32 @!p1 $0x0;
	s12 =	simm.s32 @!p1 $0x3;
	[sflag:s11] =	ssyncadd.s32 @!p0 $0xFFFFE000  }
0x25: {  	[tilespmem:s9], [sflag:$0x3] =	stream.linear.gather @!p1 [hbm4b:s10+s9], $0x80, $0x38;
	[tilespmem:$0x2080] =	vst v63  }
0x26: {  	_ =	swait.ge @!p1 [sflag:s12], $0x80  }
0x27: {  	p0 =	por p1, p1;
	[sflag:s12] =	ssyncset.done @!p1 $0x0  }
0x28: {  	s10 =	simm.s32 @!p0 $0x80;
	s11 =	simm.s32 @!p0 $0x1;
	[sflag:s12] =	ssyncadd.s32 @!p0 $0xFFFFFF80  }
0x29: {  	[tilespmem:s10], [sflag:$0x1] =	stream.indirect.gather @!p0 [hbm4b:s3+s10], $0x40, s9, s10, $0xb8;
	[tilespmem:$0x2080] =	vst v63  }
0x2a: {  	s1 =	sadd.s32 $0x1, s1;
	_ =	swait.ge @!p0 [sflag:s11], $0x2000  }
0x2b: {  	p1 =	sne.s32 s1, s5;
	[sflag:s11] =	ssyncset.done @!p0 $0x0  }
.Ltmp1:
0x2c: {  	[sflag:s11] =	ssyncadd.s32 @!p0 $0xFFFFE000;
	s11 =	simm.s32 @!p0 $0x2;
	(pc) =	sbr.rel @p1 .LBB2_1-.Ltmp1, $4  }
0x2d: {  	[hbm4b:s8+s9] =	stream.linear.scatter @!p0 [tilespmem:s10], [sflag:$0x2], $0x2000, $0x38;
	[tilespmem:$0x2080] =	vst v63  }
0x2e: {  	_ =	swait.ge @!p0 [sflag:s11], $0x2000  }
0x2f: {  	[sflag:s11] =	ssyncset.done @!p0 $0x0  }
0x30: {  	[sflag:s11] =	ssyncadd.s32 @!p0 $0xFFFFE000  }
0x31: {  	_ =	sfence.sel $0x180000  }
0x32: {  	[bflag:$0x0] =	sbarrier.arrive $0xFFFF  }
0x33: {  	p0 =	sne.s32 s2, $0x0;
	_ =	strace $0x9000004D  }
0x34: {  	s0 =	sadd.s32 @!p0 $0x100000, s0;
	[bflag:$0x2] =	sbarrier.arrive $0xFFFF  }
0x35: {  	[sflag:s0] =	ssyncadd.tile.s32 @!p0 $0x1;
	_ =	shalt  }
.Lfunc_end2:
_tile_overlayer_lowered:
.L_overlay_start_2:
0x36: {  	(tag) =	ssettag $0x2  }
0x37: {  	s0 =	rddreg [dreg:$0x0];
	s2 =	stileid.u32  }
0x38: {  	s1 =	rddreg [dreg:$0x1];
	p0 =	sne.s32 s2, $0x0  }
0x39: {  	s3 =	rddreg [dreg:$0x2];
	[bflag:$0x3] =	sbarrier.arrive $0xFFFF;
	s2 =	simm.s32 @!p0 $0x1C02  }
0x3a: {  	[timem:s3], [sflag:s2] =	dma.local @!p0 [hbm:s0], s1  }
0x3b: {  	s0 =	simm.s32 @!p0 $0x2  }
0x3c: {  	_ =	swait.ge @!p0 [sflag:s0], s1  }
0x3d: {  	s1 =	ssub.s32 @!p0 $0x0, s1;
	[sflag:s0] =	ssyncset.done @!p0 $0x0  }
0x3e: {  	[sflag:s0] =	ssyncadd.s32 @!p0 s1  }
0x3f: {  	[bflag:$0x3] =	sbarrier.arrive $0xFFFF  }
0x40: {  	_ =	shalt  }

</sc_bundles>
